<compile_context>
chip_gen: v7x
topology: tpu7x:2x2x1
jax: 0.10.2.dev20260603
libtpu: 0.0.44.dev20260713+nightly
codegen_flags: <defaults>
</compile_context>

<pallas_src>
import functools

import jax
import jax.numpy as jnp
from jax import lax
from jax.experimental import pallas as pl
from jax.experimental.pallas import tpu as pltpu
from jax.experimental.pallas import tpu_sc as plsc

N = 8192
D = 64
K = 8
B = 4096

TILE_B = 256

NC, NS, L = 2, 16, 16
NW = NC * NS
BPW = B // NW


def _topk_tc_body(x_ref, e_ref, idx_ref):
    x = x_ref[...]
    e = e_ref[...]
    mm = lax.dot_general(x, e, (((1,), (1,)), ((), ())),
                         preferred_element_type=jnp.float32)
    e2 = jnp.sum(e * e, axis=1)[None, :]
    xn = jnp.sum(x * x, axis=1, keepdims=True)
    d = (xn + e2) - 2.0 * mm

    col = lax.broadcasted_iota(jnp.int32, (TILE_B, N), 1)
    for k in range(K):
        minv = jnp.min(d, axis=1, keepdims=True)
        idx = jnp.min(jnp.where(d == minv, col, jnp.int32(N)), axis=1)
        idx_ref[k, :] = idx
        d = jnp.where(col == idx[:, None], jnp.inf, d)


def _topk_tc(x, e):
    return pl.pallas_call(
        _topk_tc_body,
        grid=(B // TILE_B,),
        in_specs=[
            pl.BlockSpec((TILE_B, D), lambda i: (i, 0)),
            pl.BlockSpec((N, D), lambda i: (0, 0)),
        ],
        out_specs=pl.BlockSpec((K, TILE_B), lambda i: (0, i)),
        out_shape=jax.ShapeDtypeStruct((K, B), jnp.int32),
    )(x, e)


def _group_sc(idx_t, emb):
    mesh = plsc.VectorSubcoreMesh(core_axis_name="c", subcore_axis_name="s")

    @functools.partial(
        pl.kernel,
        out_type=jax.ShapeDtypeStruct((B, D), jnp.float32),
        mesh=mesh,
        scratch_types=[
            pltpu.VMEM((K, BPW), jnp.int32),
            pltpu.VMEM((K, BPW, D), jnp.float32),
            pltpu.VMEM((BPW, D), jnp.float32),
            pltpu.SemaphoreType.DMA,
        ],
        compiler_params=pltpu.CompilerParams(use_tc_tiling_on_sc=False),
    )
    def body(idx_hbm, emb_hbm, out_hbm, idx_v, rows_v, out_v, sem):
        wid = lax.axis_index("s") * NC + lax.axis_index("c")
        base = wid * BPW
        pltpu.sync_copy(idx_hbm.at[:, pl.ds(base, BPW)], idx_v)
        copies = [pltpu.async_copy(emb_hbm.at[idx_v.at[k]], rows_v.at[k], sem)
                  for k in range(K)]
        for c in copies:
            c.wait()

        def row_body(r, carry):
            for c in range(D // L):
                sl = pl.ds(c * L, L)
                acc = rows_v[0, r, sl]
                acc2 = acc * acc
                for k in range(1, K):
                    v = rows_v[k, r, sl]
                    acc = acc + v
                    acc2 = acc2 + v * v
                out_v[r, sl] = acc2 / acc
            return carry

        lax.fori_loop(0, BPW, row_body, 0)
        pltpu.sync_copy(out_v, out_hbm.at[pl.ds(base, BPW)])

    return body(idx_t, emb)


def kernel(inputs_flatten, embed):
    idx_t = _topk_tc(inputs_flatten, embed)
    group_emb = _group_sc(idx_t, embed)
    return (group_emb, idx_t.T)

# --- scband reference (transcript-rebuilt; emitter-appended) ---
"""Pipeline reference for scband-interest-dict-71511205478458 (READ-ONLY COPY).

The authoritative reference and input builder live on the scoring server;
editing this copy changes nothing except your own understanding.
"""

import jax, jax.numpy as jnp
import numpy as np

NUM_INTEREST = 8192
DIM_INTEREST = 64
TOPK = 8
BATCH = 4096


def setup_inputs(seed: int = 0) -> dict:
    key = jax.random.key(seed)
    k1, k2 = jax.random.split(key)
    inputs_flatten = jax.random.normal(k1, (BATCH, DIM_INTEREST), dtype=jnp.float32)
    embed = jax.random.normal(k2, (NUM_INTEREST, DIM_INTEREST), dtype=jnp.float32)
    return {"inputs_flatten": inputs_flatten, "embed": embed}


def reference(inputs_flatten, embed):
    # squared L2 distances between inputs and codebook entries
    distances = (jnp.sum(inputs_flatten ** 2, axis=1, keepdims=True)
                 + jnp.sum(embed ** 2, axis=1)
                 - 2.0 * jnp.matmul(inputs_flatten, embed.T))
    # sort ascending, take topK nearest codes
    idx = jnp.argsort(distances, axis=-1)
    topk_idx = idx[:, :TOPK]
    topk_emb = embed[topk_idx]                      # [B, K, d] gather
    topk_emb_sum = jnp.sum(topk_emb, axis=1)[:, None, :]  # [B, 1, d]
    W_avg = topk_emb / topk_emb_sum
    emb_avg = W_avg * topk_emb
    group_emb = jnp.sum(emb_avg, axis=1)            # [B, d]
    # one-hot encodings of nearest code (scatter-overwrite)
    encoding_indices = jnp.argmin(distances, axis=1)
    encodings = jnp.zeros((inputs_flatten.shape[0], NUM_INTEREST), dtype=jnp.float32)
    encodings = encodings.at[jnp.arange(inputs_flatten.shape[0]), encoding_indices].set(1.0)
    # eval mode: EMA / dist updates skipped (self.training == False)
    quantize = jnp.matmul(encodings, embed)
    quantize = jax.lax.stop_gradient(quantize - inputs_flatten) + inputs_flatten
    group_emb = jax.lax.stop_gradient(group_emb - inputs_flatten) + inputs_flatten
    return (group_emb, topk_idx)

if __name__ == "__main__":
    import jax
    _d = setup_inputs()
    print(jax.jit(kernel)(*tuple(_d.values())))

</pallas_src>

<mosaic_0001>
#map = affine_map<(d0, d1) -> (0, 0)>
module attributes {stable_mosaic.version = 14 : i64} {
  func.func @body(%arg0: i32, %arg1: i32, %arg2: memref<8x4096xi32, #tpu.memory_space<hbm>>, %arg3: memref<8192x64xf32, #tpu.memory_space<hbm>>, %arg4: memref<4096x64xf32, #tpu.memory_space<hbm>>, %arg5: memref<8x128xi32, #tpu.memory_space<vmem>>, %arg6: memref<8x128x64xf32, #tpu.memory_space<vmem>>, %arg7: memref<128x64xf32, #tpu.memory_space<vmem>>, %arg8: memref<!tpu.dma_semaphore, #tpu.memory_space<semaphore_mem>>) attributes {dimension_semantics = [#tpu.dimension_semantics<core_parallel>, #tpu.dimension_semantics<subcore_parallel>], iteration_bounds = array<i64: 2, 16>, scalar_prefetch = 0 : i64, scratch_operands = 4 : i64, tpu.core_type = #tpu.core_type<sc_vector_subcore>, window_params = [{transform_indices = #map}, {transform_indices = #map}, {transform_indices = #map}]} {
    %mul3A = arith.constant 2 : i32
    %mul3A_0 = arith.muli %arg1, %mul3A : i32
    %add3A = arith.addi %mul3A_0, %arg0 : i32
    %mul3A_1 = arith.constant 128 : i32
    %mul3A_2 = arith.muli %add3A, %mul3A_1 : i32
    "tpu.region"() ({
      %run_scoped3A = tpu.sem_alloc : memref<!tpu.dma_semaphore, #tpu.memory_space<semaphore_mem>>
      %dma_start3A_198 = arith.constant 0 : i32
      %dma_start3A_199 = tpu.memref_slice %arg2[%dma_start3A_198, %mul3A_2] : memref<8x4096xi32, #tpu.memory_space<hbm>> -> memref<8x128xi32, #tpu.memory_space<hbm>>
      %dma_start3A_200 = arith.constant 0 : i32
      %dma_start3A_201 = tpu.memref_slice %arg2[%dma_start3A_200, %mul3A_2] : memref<8x4096xi32, #tpu.memory_space<hbm>> -> memref<8x128xi32, #tpu.memory_space<hbm>>
      tpu.enqueue_dma source(%dma_start3A_201 : memref<8x128xi32, #tpu.memory_space<hbm>>) target(%arg5 : memref<8x128xi32, #tpu.memory_space<vmem>>) target_semaphore(%run_scoped3A : memref<!tpu.dma_semaphore, #tpu.memory_space<semaphore_mem>>)
      %dma_wait3A_202 = arith.constant 0 : i32
      %dma_wait3A_203 = tpu.memref_slice %arg2[%dma_wait3A_202, %mul3A_2] : memref<8x4096xi32, #tpu.memory_space<hbm>> -> memref<8x128xi32, #tpu.memory_space<hbm>>
      %dma_wait3A_204 = arith.constant 0 : i32
      %dma_wait3A_205 = tpu.memref_slice %arg2[%dma_wait3A_204, %mul3A_2] : memref<8x4096xi32, #tpu.memory_space<hbm>> -> memref<8x128xi32, #tpu.memory_space<hbm>>
      tpu.wait_dma2 semaphore(%run_scoped3A : memref<!tpu.dma_semaphore, #tpu.memory_space<semaphore_mem>>) src(%dma_wait3A_205 : memref<8x128xi32, #tpu.memory_space<hbm>>) dst(%arg5 : memref<8x128xi32, #tpu.memory_space<vmem>>)
      tpu.yield
    }) : () -> ()
    %dma_start3A = arith.constant 0 : i32
    %dma_start3A_3 = arith.constant 0 : i32
    %dma_start3A_4 = arith.constant 0 : i32
    %dma_start3A_5 = arith.constant 0 : i32
    %dma_start3A_6 = tpu.memref_slice %arg6[%dma_start3A_3, %dma_start3A_4, %dma_start3A_5] : memref<8x128x64xf32, #tpu.memory_space<vmem>> -> memref<1x128x64xf32, #tpu.memory_space<vmem>>
    %dma_start3A_7 = tpu.memref_squeeze %dma_start3A_6 : memref<1x128x64xf32, #tpu.memory_space<vmem>> -> memref<128x64xf32, #tpu.memory_space<vmem>>
    %dma_start3A_8 = arith.constant 0 : i32
    %dma_start3A_9 = tpu.memref_slice %arg5[%dma_start3A, %dma_start3A_8] : memref<8x128xi32, #tpu.memory_space<vmem>> -> memref<1x128xi32, #tpu.memory_space<vmem>>
    %dma_start3A_10 = tpu.memref_squeeze %dma_start3A_9 : memref<1x128xi32, #tpu.memory_space<vmem>> -> memref<128xi32, #tpu.memory_space<vmem>>
    %dma_start3A_11 = arith.constant 0 : i32
    %dma_start3A_12 = arith.constant 0 : i32
    %dma_start3A_13 = tpu.memref_slice %arg3[%dma_start3A_11, %dma_start3A_12] : memref<8192x64xf32, #tpu.memory_space<hbm>> -> memref<8192x64xf32, #tpu.memory_space<hbm>>
    tpu.enqueue_indirect_dma source(%dma_start3A_13 : memref<8192x64xf32, #tpu.memory_space<hbm>>) target(%dma_start3A_7 : memref<128x64xf32, #tpu.memory_space<vmem>>) offsets(%dma_start3A_10 : memref<128xi32, #tpu.memory_space<vmem>>) semaphore(%arg8 : memref<!tpu.dma_semaphore, #tpu.memory_space<semaphore_mem>>)
    %dma_start3A_14 = arith.constant 1 : i32
    %dma_start3A_15 = arith.constant 1 : i32
    %dma_start3A_16 = arith.constant 0 : i32
    %dma_start3A_17 = arith.constant 0 : i32
    %dma_start3A_18 = tpu.memref_slice %arg6[%dma_start3A_15, %dma_start3A_16, %dma_start3A_17] : memref<8x128x64xf32, #tpu.memory_space<vmem>> -> memref<1x128x64xf32, #tpu.memory_space<vmem>>
    %dma_start3A_19 = tpu.memref_squeeze %dma_start3A_18 : memref<1x128x64xf32, #tpu.memory_space<vmem>> -> memref<128x64xf32, #tpu.memory_space<vmem>>
    %dma_start3A_20 = arith.constant 0 : i32
    %dma_start3A_21 = tpu.memref_slice %arg5[%dma_start3A_14, %dma_start3A_20] : memref<8x128xi32, #tpu.memory_space<vmem>> -> memref<1x128xi32, #tpu.memory_space<vmem>>
    %dma_start3A_22 = tpu.memref_squeeze %dma_start3A_21 : memref<1x128xi32, #tpu.memory_space<vmem>> -> memref<128xi32, #tpu.memory_space<vmem>>
    %dma_start3A_23 = arith.constant 0 : i32
    %dma_start3A_24 = arith.constant 0 : i32
    %dma_start3A_25 = tpu.memref_slice %arg3[%dma_start3A_23, %dma_start3A_24] : memref<8192x64xf32, #tpu.memory_space<hbm>> -> memref<8192x64xf32, #tpu.memory_space<hbm>>
    tpu.enqueue_indirect_dma source(%dma_start3A_25 : memref<8192x64xf32, #tpu.memory_space<hbm>>) target(%dma_start3A_19 : memref<128x64xf32, #tpu.memory_space<vmem>>) offsets(%dma_start3A_22 : memref<128xi32, #tpu.memory_space<vmem>>) semaphore(%arg8 : memref<!tpu.dma_semaphore, #tpu.memory_space<semaphore_mem>>)
    %dma_start3A_26 = arith.constant 2 : i32
    %dma_start3A_27 = arith.constant 2 : i32
    %dma_start3A_28 = arith.constant 0 : i32
    %dma_start3A_29 = arith.constant 0 : i32
    %dma_start3A_30 = tpu.memref_slice %arg6[%dma_start3A_27, %dma_start3A_28, %dma_start3A_29] : memref<8x128x64xf32, #tpu.memory_space<vmem>> -> memref<1x128x64xf32, #tpu.memory_space<vmem>>
    %dma_start3A_31 = tpu.memref_squeeze %dma_start3A_30 : memref<1x128x64xf32, #tpu.memory_space<vmem>> -> memref<128x64xf32, #tpu.memory_space<vmem>>
    %dma_start3A_32 = arith.constant 0 : i32
    %dma_start3A_33 = tpu.memref_slice %arg5[%dma_start3A_26, %dma_start3A_32] : memref<8x128xi32, #tpu.memory_space<vmem>> -> memref<1x128xi32, #tpu.memory_space<vmem>>
    %dma_start3A_34 = tpu.memref_squeeze %dma_start3A_33 : memref<1x128xi32, #tpu.memory_space<vmem>> -> memref<128xi32, #tpu.memory_space<vmem>>
    %dma_start3A_35 = arith.constant 0 : i32
    %dma_start3A_36 = arith.constant 0 : i32
    %dma_start3A_37 = tpu.memref_slice %arg3[%dma_start3A_35, %dma_start3A_36] : memref<8192x64xf32, #tpu.memory_space<hbm>> -> memref<8192x64xf32, #tpu.memory_space<hbm>>
    tpu.enqueue_indirect_dma source(%dma_start3A_37 : memref<8192x64xf32, #tpu.memory_space<hbm>>) target(%dma_start3A_31 : memref<128x64xf32, #tpu.memory_space<vmem>>) offsets(%dma_start3A_34 : memref<128xi32, #tpu.memory_space<vmem>>) semaphore(%arg8 : memref<!tpu.dma_semaphore, #tpu.memory_space<semaphore_mem>>)
    %dma_start3A_38 = arith.constant 3 : i32
    %dma_start3A_39 = arith.constant 3 : i32
    %dma_start3A_40 = arith.constant 0 : i32
    %dma_start3A_41 = arith.constant 0 : i32
    %dma_start3A_42 = tpu.memref_slice %arg6[%dma_start3A_39, %dma_start3A_40, %dma_start3A_41] : memref<8x128x64xf32, #tpu.memory_space<vmem>> -> memref<1x128x64xf32, #tpu.memory_space<vmem>>
    %dma_start3A_43 = tpu.memref_squeeze %dma_start3A_42 : memref<1x128x64xf32, #tpu.memory_space<vmem>> -> memref<128x64xf32, #tpu.memory_space<vmem>>
    %dma_start3A_44 = arith.constant 0 : i32
    %dma_start3A_45 = tpu.memref_slice %arg5[%dma_start3A_38, %dma_start3A_44] : memref<8x128xi32, #tpu.memory_space<vmem>> -> memref<1x128xi32, #tpu.memory_space<vmem>>
    %dma_start3A_46 = tpu.memref_squeeze %dma_start3A_45 : memref<1x128xi32, #tpu.memory_space<vmem>> -> memref<128xi32, #tpu.memory_space<vmem>>
    %dma_start3A_47 = arith.constant 0 : i32
    %dma_start3A_48 = arith.constant 0 : i32
    %dma_start3A_49 = tpu.memref_slice %arg3[%dma_start3A_47, %dma_start3A_48] : memref<8192x64xf32, #tpu.memory_space<hbm>> -> memref<8192x64xf32, #tpu.memory_space<hbm>>
    tpu.enqueue_indirect_dma source(%dma_start3A_49 : memref<8192x64xf32, #tpu.memory_space<hbm>>) target(%dma_start3A_43 : memref<128x64xf32, #tpu.memory_space<vmem>>) offsets(%dma_start3A_46 : memref<128xi32, #tpu.memory_space<vmem>>) semaphore(%arg8 : memref<!tpu.dma_semaphore, #tpu.memory_space<semaphore_mem>>)
    %dma_start3A_50 = arith.constant 4 : i32
    %dma_start3A_51 = arith.constant 4 : i32
    %dma_start3A_52 = arith.constant 0 : i32
    %dma_start3A_53 = arith.constant 0 : i32
    %dma_start3A_54 = tpu.memref_slice %arg6[%dma_start3A_51, %dma_start3A_52, %dma_start3A_53] : memref<8x128x64xf32, #tpu.memory_space<vmem>> -> memref<1x128x64xf32, #tpu.memory_space<vmem>>
    %dma_start3A_55 = tpu.memref_squeeze %dma_start3A_54 : memref<1x128x64xf32, #tpu.memory_space<vmem>> -> memref<128x64xf32, #tpu.memory_space<vmem>>
    %dma_start3A_56 = arith.constant 0 : i32
    %dma_start3A_57 = tpu.memref_slice %arg5[%dma_start3A_50, %dma_start3A_56] : memref<8x128xi32, #tpu.memory_space<vmem>> -> memref<1x128xi32, #tpu.memory_space<vmem>>
    %dma_start3A_58 = tpu.memref_squeeze %dma_start3A_57 : memref<1x128xi32, #tpu.memory_space<vmem>> -> memref<128xi32, #tpu.memory_space<vmem>>
    %dma_start3A_59 = arith.constant 0 : i32
    %dma_start3A_60 = arith.constant 0 : i32
    %dma_start3A_61 = tpu.memref_slice %arg3[%dma_start3A_59, %dma_start3A_60] : memref<8192x64xf32, #tpu.memory_space<hbm>> -> memref<8192x64xf32, #tpu.memory_space<hbm>>
    tpu.enqueue_indirect_dma source(%dma_start3A_61 : memref<8192x64xf32, #tpu.memory_space<hbm>>) target(%dma_start3A_55 : memref<128x64xf32, #tpu.memory_space<vmem>>) offsets(%dma_start3A_58 : memref<128xi32, #tpu.memory_space<vmem>>) semaphore(%arg8 : memref<!tpu.dma_semaphore, #tpu.memory_space<semaphore_mem>>)
    %dma_start3A_62 = arith.constant 5 : i32
    %dma_start3A_63 = arith.constant 5 : i32
    %dma_start3A_64 = arith.constant 0 : i32
    %dma_start3A_65 = arith.constant 0 : i32
    %dma_start3A_66 = tpu.memref_slice %arg6[%dma_start3A_63, %dma_start3A_64, %dma_start3A_65] : memref<8x128x64xf32, #tpu.memory_space<vmem>> -> memref<1x128x64xf32, #tpu.memory_space<vmem>>
    %dma_start3A_67 = tpu.memref_squeeze %dma_start3A_66 : memref<1x128x64xf32, #tpu.memory_space<vmem>> -> memref<128x64xf32, #tpu.memory_space<vmem>>
    %dma_start3A_68 = arith.constant 0 : i32
    %dma_start3A_69 = tpu.memref_slice %arg5[%dma_start3A_62, %dma_start3A_68] : memref<8x128xi32, #tpu.memory_space<vmem>> -> memref<1x128xi32, #tpu.memory_space<vmem>>
    %dma_start3A_70 = tpu.memref_squeeze %dma_start3A_69 : memref<1x128xi32, #tpu.memory_space<vmem>> -> memref<128xi32, #tpu.memory_space<vmem>>
    %dma_start3A_71 = arith.constant 0 : i32
    %dma_start3A_72 = arith.constant 0 : i32
    %dma_start3A_73 = tpu.memref_slice %arg3[%dma_start3A_71, %dma_start3A_72] : memref<8192x64xf32, #tpu.memory_space<hbm>> -> memref<8192x64xf32, #tpu.memory_space<hbm>>
    tpu.enqueue_indirect_dma source(%dma_start3A_73 : memref<8192x64xf32, #tpu.memory_space<hbm>>) target(%dma_start3A_67 : memref<128x64xf32, #tpu.memory_space<vmem>>) offsets(%dma_start3A_70 : memref<128xi32, #tpu.memory_space<vmem>>) semaphore(%arg8 : memref<!tpu.dma_semaphore, #tpu.memory_space<semaphore_mem>>)
    %dma_start3A_74 = arith.constant 6 : i32
    %dma_start3A_75 = arith.constant 6 : i32
    %dma_start3A_76 = arith.constant 0 : i32
    %dma_start3A_77 = arith.constant 0 : i32
    %dma_start3A_78 = tpu.memref_slice %arg6[%dma_start3A_75, %dma_start3A_76, %dma_start3A_77] : memref<8x128x64xf32, #tpu.memory_space<vmem>> -> memref<1x128x64xf32, #tpu.memory_space<vmem>>
    %dma_start3A_79 = tpu.memref_squeeze %dma_start3A_78 : memref<1x128x64xf32, #tpu.memory_space<vmem>> -> memref<128x64xf32, #tpu.memory_space<vmem>>
    %dma_start3A_80 = arith.constant 0 : i32
    %dma_start3A_81 = tpu.memref_slice %arg5[%dma_start3A_74, %dma_start3A_80] : memref<8x128xi32, #tpu.memory_space<vmem>> -> memref<1x128xi32, #tpu.memory_space<vmem>>
    %dma_start3A_82 = tpu.memref_squeeze %dma_start3A_81 : memref<1x128xi32, #tpu.memory_space<vmem>> -> memref<128xi32, #tpu.memory_space<vmem>>
    %dma_start3A_83 = arith.constant 0 : i32
    %dma_start3A_84 = arith.constant 0 : i32
    %dma_start3A_85 = tpu.memref_slice %arg3[%dma_start3A_83, %dma_start3A_84] : memref<8192x64xf32, #tpu.memory_space<hbm>> -> memref<8192x64xf32, #tpu.memory_space<hbm>>
    tpu.enqueue_indirect_dma source(%dma_start3A_85 : memref<8192x64xf32, #tpu.memory_space<hbm>>) target(%dma_start3A_79 : memref<128x64xf32, #tpu.memory_space<vmem>>) offsets(%dma_start3A_82 : memref<128xi32, #tpu.memory_space<vmem>>) semaphore(%arg8 : memref<!tpu.dma_semaphore, #tpu.memory_space<semaphore_mem>>)
    %dma_start3A_86 = arith.constant 7 : i32
    %dma_start3A_87 = arith.constant 7 : i32
    %dma_start3A_88 = arith.constant 0 : i32
    %dma_start3A_89 = arith.constant 0 : i32
    %dma_start3A_90 = tpu.memref_slice %arg6[%dma_start3A_87, %dma_start3A_88, %dma_start3A_89] : memref<8x128x64xf32, #tpu.memory_space<vmem>> -> memref<1x128x64xf32, #tpu.memory_space<vmem>>
    %dma_start3A_91 = tpu.memref_squeeze %dma_start3A_90 : memref<1x128x64xf32, #tpu.memory_space<vmem>> -> memref<128x64xf32, #tpu.memory_space<vmem>>
    %dma_start3A_92 = arith.constant 0 : i32
    %dma_start3A_93 = tpu.memref_slice %arg5[%dma_start3A_86, %dma_start3A_92] : memref<8x128xi32, #tpu.memory_space<vmem>> -> memref<1x128xi32, #tpu.memory_space<vmem>>
    %dma_start3A_94 = tpu.memref_squeeze %dma_start3A_93 : memref<1x128xi32, #tpu.memory_space<vmem>> -> memref<128xi32, #tpu.memory_space<vmem>>
    %dma_start3A_95 = arith.constant 0 : i32
    %dma_start3A_96 = arith.constant 0 : i32
    %dma_start3A_97 = tpu.memref_slice %arg3[%dma_start3A_95, %dma_start3A_96] : memref<8192x64xf32, #tpu.memory_space<hbm>> -> memref<8192x64xf32, #tpu.memory_space<hbm>>
    tpu.enqueue_indirect_dma source(%dma_start3A_97 : memref<8192x64xf32, #tpu.memory_space<hbm>>) target(%dma_start3A_91 : memref<128x64xf32, #tpu.memory_space<vmem>>) offsets(%dma_start3A_94 : memref<128xi32, #tpu.memory_space<vmem>>) semaphore(%arg8 : memref<!tpu.dma_semaphore, #tpu.memory_space<semaphore_mem>>)
    %dma_wait3A = arith.constant 0 : i32
    %dma_wait3A_98 = arith.constant 0 : i32
    %dma_wait3A_99 = arith.constant 0 : i32
    %dma_wait3A_100 = arith.constant 0 : i32
    %dma_wait3A_101 = tpu.memref_slice %arg6[%dma_wait3A_98, %dma_wait3A_99, %dma_wait3A_100] : memref<8x128x64xf32, #tpu.memory_space<vmem>> -> memref<1x128x64xf32, #tpu.memory_space<vmem>>
    %dma_wait3A_102 = tpu.memref_squeeze %dma_wait3A_101 : memref<1x128x64xf32, #tpu.memory_space<vmem>> -> memref<128x64xf32, #tpu.memory_space<vmem>>
    %dma_wait3A_103 = arith.constant 0 : i32
    %dma_wait3A_104 = tpu.memref_slice %arg5[%dma_wait3A, %dma_wait3A_103] : memref<8x128xi32, #tpu.memory_space<vmem>> -> memref<1x128xi32, #tpu.memory_space<vmem>>
    %dma_wait3A_105 = tpu.memref_squeeze %dma_wait3A_104 : memref<1x128xi32, #tpu.memory_space<vmem>> -> memref<128xi32, #tpu.memory_space<vmem>>
    %dma_wait3A_106 = arith.constant 0 : i32
    %dma_wait3A_107 = arith.constant 0 : i32
    %dma_wait3A_108 = tpu.memref_slice %arg3[%dma_wait3A_106, %dma_wait3A_107] : memref<8192x64xf32, #tpu.memory_space<hbm>> -> memref<8192x64xf32, #tpu.memory_space<hbm>>
    tpu.wait_indirect_dma semaphore(%arg8 : memref<!tpu.dma_semaphore, #tpu.memory_space<semaphore_mem>>) src(%dma_wait3A_108 : memref<8192x64xf32, #tpu.memory_space<hbm>>) dst(%dma_wait3A_102 : memref<128x64xf32, #tpu.memory_space<vmem>>)
    %dma_wait3A_109 = arith.constant 1 : i32
    %dma_wait3A_110 = arith.constant 1 : i32
    %dma_wait3A_111 = arith.constant 0 : i32
    %dma_wait3A_112 = arith.constant 0 : i32
    %dma_wait3A_113 = tpu.memref_slice %arg6[%dma_wait3A_110, %dma_wait3A_111, %dma_wait3A_112] : memref<8x128x64xf32, #tpu.memory_space<vmem>> -> memref<1x128x64xf32, #tpu.memory_space<vmem>>
    %dma_wait3A_114 = tpu.memref_squeeze %dma_wait3A_113 : memref<1x128x64xf32, #tpu.memory_space<vmem>> -> memref<128x64xf32, #tpu.memory_space<vmem>>
    %dma_wait3A_115 = arith.constant 0 : i32
    %dma_wait3A_116 = tpu.memref_slice %arg5[%dma_wait3A_109, %dma_wait3A_115] : memref<8x128xi32, #tpu.memory_space<vmem>> -> memref<1x128xi32, #tpu.memory_space<vmem>>
    %dma_wait3A_117 = tpu.memref_squeeze %dma_wait3A_116 : memref<1x128xi32, #tpu.memory_space<vmem>> -> memref<128xi32, #tpu.memory_space<vmem>>
    %dma_wait3A_118 = arith.constant 0 : i32
    %dma_wait3A_119 = arith.constant 0 : i32
    %dma_wait3A_120 = tpu.memref_slice %arg3[%dma_wait3A_118, %dma_wait3A_119] : memref<8192x64xf32, #tpu.memory_space<hbm>> -> memref<8192x64xf32, #tpu.memory_space<hbm>>
    tpu.wait_indirect_dma semaphore(%arg8 : memref<!tpu.dma_semaphore, #tpu.memory_space<semaphore_mem>>) src(%dma_wait3A_120 : memref<8192x64xf32, #tpu.memory_space<hbm>>) dst(%dma_wait3A_114 : memref<128x64xf32, #tpu.memory_space<vmem>>)
    %dma_wait3A_121 = arith.constant 2 : i32
    %dma_wait3A_122 = arith.constant 2 : i32
    %dma_wait3A_123 = arith.constant 0 : i32
    %dma_wait3A_124 = arith.constant 0 : i32
    %dma_wait3A_125 = tpu.memref_slice %arg6[%dma_wait3A_122, %dma_wait3A_123, %dma_wait3A_124] : memref<8x128x64xf32, #tpu.memory_space<vmem>> -> memref<1x128x64xf32, #tpu.memory_space<vmem>>
    %dma_wait3A_126 = tpu.memref_squeeze %dma_wait3A_125 : memref<1x128x64xf32, #tpu.memory_space<vmem>> -> memref<128x64xf32, #tpu.memory_space<vmem>>
    %dma_wait3A_127 = arith.constant 0 : i32
    %dma_wait3A_128 = tpu.memref_slice %arg5[%dma_wait3A_121, %dma_wait3A_127] : memref<8x128xi32, #tpu.memory_space<vmem>> -> memref<1x128xi32, #tpu.memory_space<vmem>>
    %dma_wait3A_129 = tpu.memref_squeeze %dma_wait3A_128 : memref<1x128xi32, #tpu.memory_space<vmem>> -> memref<128xi32, #tpu.memory_space<vmem>>
    %dma_wait3A_130 = arith.constant 0 : i32
    %dma_wait3A_131 = arith.constant 0 : i32
    %dma_wait3A_132 = tpu.memref_slice %arg3[%dma_wait3A_130, %dma_wait3A_131] : memref<8192x64xf32, #tpu.memory_space<hbm>> -> memref<8192x64xf32, #tpu.memory_space<hbm>>
    tpu.wait_indirect_dma semaphore(%arg8 : memref<!tpu.dma_semaphore, #tpu.memory_space<semaphore_mem>>) src(%dma_wait3A_132 : memref<8192x64xf32, #tpu.memory_space<hbm>>) dst(%dma_wait3A_126 : memref<128x64xf32, #tpu.memory_space<vmem>>)
    %dma_wait3A_133 = arith.constant 3 : i32
    %dma_wait3A_134 = arith.constant 3 : i32
    %dma_wait3A_135 = arith.constant 0 : i32
    %dma_wait3A_136 = arith.constant 0 : i32
    %dma_wait3A_137 = tpu.memref_slice %arg6[%dma_wait3A_134, %dma_wait3A_135, %dma_wait3A_136] : memref<8x128x64xf32, #tpu.memory_space<vmem>> -> memref<1x128x64xf32, #tpu.memory_space<vmem>>
    %dma_wait3A_138 = tpu.memref_squeeze %dma_wait3A_137 : memref<1x128x64xf32, #tpu.memory_space<vmem>> -> memref<128x64xf32, #tpu.memory_space<vmem>>
    %dma_wait3A_139 = arith.constant 0 : i32
    %dma_wait3A_140 = tpu.memref_slice %arg5[%dma_wait3A_133, %dma_wait3A_139] : memref<8x128xi32, #tpu.memory_space<vmem>> -> memref<1x128xi32, #tpu.memory_space<vmem>>
    %dma_wait3A_141 = tpu.memref_squeeze %dma_wait3A_140 : memref<1x128xi32, #tpu.memory_space<vmem>> -> memref<128xi32, #tpu.memory_space<vmem>>
    %dma_wait3A_142 = arith.constant 0 : i32
    %dma_wait3A_143 = arith.constant 0 : i32
    %dma_wait3A_144 = tpu.memref_slice %arg3[%dma_wait3A_142, %dma_wait3A_143] : memref<8192x64xf32, #tpu.memory_space<hbm>> -> memref<8192x64xf32, #tpu.memory_space<hbm>>
    tpu.wait_indirect_dma semaphore(%arg8 : memref<!tpu.dma_semaphore, #tpu.memory_space<semaphore_mem>>) src(%dma_wait3A_144 : memref<8192x64xf32, #tpu.memory_space<hbm>>) dst(%dma_wait3A_138 : memref<128x64xf32, #tpu.memory_space<vmem>>)
    %dma_wait3A_145 = arith.constant 4 : i32
    %dma_wait3A_146 = arith.constant 4 : i32
    %dma_wait3A_147 = arith.constant 0 : i32
    %dma_wait3A_148 = arith.constant 0 : i32
    %dma_wait3A_149 = tpu.memref_slice %arg6[%dma_wait3A_146, %dma_wait3A_147, %dma_wait3A_148] : memref<8x128x64xf32, #tpu.memory_space<vmem>> -> memref<1x128x64xf32, #tpu.memory_space<vmem>>
    %dma_wait3A_150 = tpu.memref_squeeze %dma_wait3A_149 : memref<1x128x64xf32, #tpu.memory_space<vmem>> -> memref<128x64xf32, #tpu.memory_space<vmem>>
    %dma_wait3A_151 = arith.constant 0 : i32
    %dma_wait3A_152 = tpu.memref_slice %arg5[%dma_wait3A_145, %dma_wait3A_151] : memref<8x128xi32, #tpu.memory_space<vmem>> -> memref<1x128xi32, #tpu.memory_space<vmem>>
    %dma_wait3A_153 = tpu.memref_squeeze %dma_wait3A_152 : memref<1x128xi32, #tpu.memory_space<vmem>> -> memref<128xi32, #tpu.memory_space<vmem>>
    %dma_wait3A_154 = arith.constant 0 : i32
    %dma_wait3A_155 = arith.constant 0 : i32
    %dma_wait3A_156 = tpu.memref_slice %arg3[%dma_wait3A_154, %dma_wait3A_155] : memref<8192x64xf32, #tpu.memory_space<hbm>> -> memref<8192x64xf32, #tpu.memory_space<hbm>>
    tpu.wait_indirect_dma semaphore(%arg8 : memref<!tpu.dma_semaphore, #tpu.memory_space<semaphore_mem>>) src(%dma_wait3A_156 : memref<8192x64xf32, #tpu.memory_space<hbm>>) dst(%dma_wait3A_150 : memref<128x64xf32, #tpu.memory_space<vmem>>)
    %dma_wait3A_157 = arith.constant 5 : i32
    %dma_wait3A_158 = arith.constant 5 : i32
    %dma_wait3A_159 = arith.constant 0 : i32
    %dma_wait3A_160 = arith.constant 0 : i32
    %dma_wait3A_161 = tpu.memref_slice %arg6[%dma_wait3A_158, %dma_wait3A_159, %dma_wait3A_160] : memref<8x128x64xf32, #tpu.memory_space<vmem>> -> memref<1x128x64xf32, #tpu.memory_space<vmem>>
    %dma_wait3A_162 = tpu.memref_squeeze %dma_wait3A_161 : memref<1x128x64xf32, #tpu.memory_space<vmem>> -> memref<128x64xf32, #tpu.memory_space<vmem>>
    %dma_wait3A_163 = arith.constant 0 : i32
    %dma_wait3A_164 = tpu.memref_slice %arg5[%dma_wait3A_157, %dma_wait3A_163] : memref<8x128xi32, #tpu.memory_space<vmem>> -> memref<1x128xi32, #tpu.memory_space<vmem>>
    %dma_wait3A_165 = tpu.memref_squeeze %dma_wait3A_164 : memref<1x128xi32, #tpu.memory_space<vmem>> -> memref<128xi32, #tpu.memory_space<vmem>>
    %dma_wait3A_166 = arith.constant 0 : i32
    %dma_wait3A_167 = arith.constant 0 : i32
    %dma_wait3A_168 = tpu.memref_slice %arg3[%dma_wait3A_166, %dma_wait3A_167] : memref<8192x64xf32, #tpu.memory_space<hbm>> -> memref<8192x64xf32, #tpu.memory_space<hbm>>
    tpu.wait_indirect_dma semaphore(%arg8 : memref<!tpu.dma_semaphore, #tpu.memory_space<semaphore_mem>>) src(%dma_wait3A_168 : memref<8192x64xf32, #tpu.memory_space<hbm>>) dst(%dma_wait3A_162 : memref<128x64xf32, #tpu.memory_space<vmem>>)
    %dma_wait3A_169 = arith.constant 6 : i32
    %dma_wait3A_170 = arith.constant 6 : i32
    %dma_wait3A_171 = arith.constant 0 : i32
    %dma_wait3A_172 = arith.constant 0 : i32
    %dma_wait3A_173 = tpu.memref_slice %arg6[%dma_wait3A_170, %dma_wait3A_171, %dma_wait3A_172] : memref<8x128x64xf32, #tpu.memory_space<vmem>> -> memref<1x128x64xf32, #tpu.memory_space<vmem>>
    %dma_wait3A_174 = tpu.memref_squeeze %dma_wait3A_173 : memref<1x128x64xf32, #tpu.memory_space<vmem>> -> memref<128x64xf32, #tpu.memory_space<vmem>>
    %dma_wait3A_175 = arith.constant 0 : i32
    %dma_wait3A_176 = tpu.memref_slice %arg5[%dma_wait3A_169, %dma_wait3A_175] : memref<8x128xi32, #tpu.memory_space<vmem>> -> memref<1x128xi32, #tpu.memory_space<vmem>>
    %dma_wait3A_177 = tpu.memref_squeeze %dma_wait3A_176 : memref<1x128xi32, #tpu.memory_space<vmem>> -> memref<128xi32, #tpu.memory_space<vmem>>
    %dma_wait3A_178 = arith.constant 0 : i32
    %dma_wait3A_179 = arith.constant 0 : i32
    %dma_wait3A_180 = tpu.memref_slice %arg3[%dma_wait3A_178, %dma_wait3A_179] : memref<8192x64xf32, #tpu.memory_space<hbm>> -> memref<8192x64xf32, #tpu.memory_space<hbm>>
    tpu.wait_indirect_dma semaphore(%arg8 : memref<!tpu.dma_semaphore, #tpu.memory_space<semaphore_mem>>) src(%dma_wait3A_180 : memref<8192x64xf32, #tpu.memory_space<hbm>>) dst(%dma_wait3A_174 : memref<128x64xf32, #tpu.memory_space<vmem>>)
    %dma_wait3A_181 = arith.constant 7 : i32
    %dma_wait3A_182 = arith.constant 7 : i32
    %dma_wait3A_183 = arith.constant 0 : i32
    %dma_wait3A_184 = arith.constant 0 : i32
    %dma_wait3A_185 = tpu.memref_slice %arg6[%dma_wait3A_182, %dma_wait3A_183, %dma_wait3A_184] : memref<8x128x64xf32, #tpu.memory_space<vmem>> -> memref<1x128x64xf32, #tpu.memory_space<vmem>>
    %dma_wait3A_186 = tpu.memref_squeeze %dma_wait3A_185 : memref<1x128x64xf32, #tpu.memory_space<vmem>> -> memref<128x64xf32, #tpu.memory_space<vmem>>
    %dma_wait3A_187 = arith.constant 0 : i32
    %dma_wait3A_188 = tpu.memref_slice %arg5[%dma_wait3A_181, %dma_wait3A_187] : memref<8x128xi32, #tpu.memory_space<vmem>> -> memref<1x128xi32, #tpu.memory_space<vmem>>
    %dma_wait3A_189 = tpu.memref_squeeze %dma_wait3A_188 : memref<1x128xi32, #tpu.memory_space<vmem>> -> memref<128xi32, #tpu.memory_space<vmem>>
    %dma_wait3A_190 = arith.constant 0 : i32
    %dma_wait3A_191 = arith.constant 0 : i32
    %dma_wait3A_192 = tpu.memref_slice %arg3[%dma_wait3A_190, %dma_wait3A_191] : memref<8192x64xf32, #tpu.memory_space<hbm>> -> memref<8192x64xf32, #tpu.memory_space<hbm>>
    tpu.wait_indirect_dma semaphore(%arg8 : memref<!tpu.dma_semaphore, #tpu.memory_space<semaphore_mem>>) src(%dma_wait3A_192 : memref<8192x64xf32, #tpu.memory_space<hbm>>) dst(%dma_wait3A_186 : memref<128x64xf32, #tpu.memory_space<vmem>>)
    %scan3A = arith.constant 0 : i32
    %scan3A_193 = arith.constant 0 : i32
    %scan3A_194 = arith.constant 128 : i32
    %scan3A_195 = arith.addi %scan3A_193, %scan3A_194 : i32
    %scan3A_196 = arith.constant 1 : i32
    scf.for %scan3A_198 = %scan3A_193 to %scan3A_195 step %scan3A_196  : i32 {
      %get3A = arith.constant 0 : i32
      %get3A_199 = arith.index_cast %get3A : i32 to index
      %get3A_200 = arith.index_cast %scan3A_198 : i32 to index
      %get3A_201 = arith.constant 0 : index
      %get3A_202 = tpu.vector_load %arg6[%get3A_199, %get3A_200, %get3A_201] {strides = array<i32>} : memref<8x128x64xf32, #tpu.memory_space<vmem>>, vector<1x1x16xf32>,
      %get3A_203 = vector.shape_cast %get3A_202 : vector<1x1x16xf32> to vector<16xf32>
      %mul3A_204 = arith.mulf %get3A_203, %get3A_203 : vector<16xf32>
      %get3A_205 = arith.constant 1 : i32
      %get3A_206 = arith.index_cast %get3A_205 : i32 to index
      %get3A_207 = arith.index_cast %scan3A_198 : i32 to index
      %get3A_208 = arith.constant 0 : index
      %get3A_209 = tpu.vector_load %arg6[%get3A_206, %get3A_207, %get3A_208] {strides = array<i32>} : memref<8x128x64xf32, #tpu.memory_space<vmem>>, vector<1x1x16xf32>,
      %get3A_210 = vector.shape_cast %get3A_209 : vector<1x1x16xf32> to vector<16xf32>
      %add3A_211 = arith.addf %get3A_203, %get3A_210 : vector<16xf32>
      %mul3A_212 = arith.mulf %get3A_210, %get3A_210 : vector<16xf32>
      %add3A_213 = arith.addf %mul3A_204, %mul3A_212 : vector<16xf32>
      %get3A_214 = arith.constant 2 : i32
      %get3A_215 = arith.index_cast %get3A_214 : i32 to index
      %get3A_216 = arith.index_cast %scan3A_198 : i32 to index
      %get3A_217 = arith.constant 0 : index
      %get3A_218 = tpu.vector_load %arg6[%get3A_215, %get3A_216, %get3A_217] {strides = array<i32>} : memref<8x128x64xf32, #tpu.memory_space<vmem>>, vector<1x1x16xf32>,
      %get3A_219 = vector.shape_cast %get3A_218 : vector<1x1x16xf32> to vector<16xf32>
      %add3A_220 = arith.addf %add3A_211, %get3A_219 : vector<16xf32>
      %mul3A_221 = arith.mulf %get3A_219, %get3A_219 : vector<16xf32>
      %add3A_222 = arith.addf %add3A_213, %mul3A_221 : vector<16xf32>
      %get3A_223 = arith.constant 3 : i32
      %get3A_224 = arith.index_cast %get3A_223 : i32 to index
      %get3A_225 = arith.index_cast %scan3A_198 : i32 to index
      %get3A_226 = arith.constant 0 : index
      %get3A_227 = tpu.vector_load %arg6[%get3A_224, %get3A_225, %get3A_226] {strides = array<i32>} : memref<8x128x64xf32, #tpu.memory_space<vmem>>, vector<1x1x16xf32>,
      %get3A_228 = vector.shape_cast %get3A_227 : vector<1x1x16xf32> to vector<16xf32>
      %add3A_229 = arith.addf %add3A_220, %get3A_228 : vector<16xf32>
      %mul3A_230 = arith.mulf %get3A_228, %get3A_228 : vector<16xf32>
      %add3A_231 = arith.addf %add3A_222, %mul3A_230 : vector<16xf32>
      %get3A_232 = arith.constant 4 : i32
      %get3A_233 = arith.index_cast %get3A_232 : i32 to index
      %get3A_234 = arith.index_cast %scan3A_198 : i32 to index
      %get3A_235 = arith.constant 0 : index
      %get3A_236 = tpu.vector_load %arg6[%get3A_233, %get3A_234, %get3A_235] {strides = array<i32>} : memref<8x128x64xf32, #tpu.memory_space<vmem>>, vector<1x1x16xf32>,
      %get3A_237 = vector.shape_cast %get3A_236 : vector<1x1x16xf32> to vector<16xf32>
      %add3A_238 = arith.addf %add3A_229, %get3A_237 : vector<16xf32>
      %mul3A_239 = arith.mulf %get3A_237, %get3A_237 : vector<16xf32>
      %add3A_240 = arith.addf %add3A_231, %mul3A_239 : vector<16xf32>
      %get3A_241 = arith.constant 5 : i32
      %get3A_242 = arith.index_cast %get3A_241 : i32 to index
      %get3A_243 = arith.index_cast %scan3A_198 : i32 to index
      %get3A_244 = arith.constant 0 : index
      %get3A_245 = tpu.vector_load %arg6[%get3A_242, %get3A_243, %get3A_244] {strides = array<i32>} : memref<8x128x64xf32, #tpu.memory_space<vmem>>, vector<1x1x16xf32>,
      %get3A_246 = vector.shape_cast %get3A_245 : vector<1x1x16xf32> to vector<16xf32>
      %add3A_247 = arith.addf %add3A_238, %get3A_246 : vector<16xf32>
      %mul3A_248 = arith.mulf %get3A_246, %get3A_246 : vector<16xf32>
      %add3A_249 = arith.addf %add3A_240, %mul3A_248 : vector<16xf32>
      %get3A_250 = arith.constant 6 : i32
      %get3A_251 = arith.index_cast %get3A_250 : i32 to index
      %get3A_252 = arith.index_cast %scan3A_198 : i32 to index
      %get3A_253 = arith.constant 0 : index
      %get3A_254 = tpu.vector_load %arg6[%get3A_251, %get3A_252, %get3A_253] {strides = array<i32>} : memref<8x128x64xf32, #tpu.memory_space<vmem>>, vector<1x1x16xf32>,
      %get3A_255 = vector.shape_cast %get3A_254 : vector<1x1x16xf32> to vector<16xf32>
      %add3A_256 = arith.addf %add3A_247, %get3A_255 : vector<16xf32>
      %mul3A_257 = arith.mulf %get3A_255, %get3A_255 : vector<16xf32>
      %add3A_258 = arith.addf %add3A_249, %mul3A_257 : vector<16xf32>
      %get3A_259 = arith.constant 7 : i32
      %get3A_260 = arith.index_cast %get3A_259 : i32 to index
      %get3A_261 = arith.index_cast %scan3A_198 : i32 to index
      %get3A_262 = arith.constant 0 : index
      %get3A_263 = tpu.vector_load %arg6[%get3A_260, %get3A_261, %get3A_262] {strides = array<i32>} : memref<8x128x64xf32, #tpu.memory_space<vmem>>, vector<1x1x16xf32>,
      %get3A_264 = vector.shape_cast %get3A_263 : vector<1x1x16xf32> to vector<16xf32>
      %add3A_265 = arith.addf %add3A_256, %get3A_264 : vector<16xf32>
      %mul3A_266 = arith.mulf %get3A_264, %get3A_264 : vector<16xf32>
      %add3A_267 = arith.addf %add3A_258, %mul3A_266 : vector<16xf32>
      %div3A = arith.divf %add3A_267, %add3A_265 : vector<16xf32>
      %swap3A = arith.index_cast %scan3A_198 : i32 to index
      %swap3A_268 = arith.constant 0 : index
      %swap3A_269 = tpu.vector_load %arg7[%swap3A, %swap3A_268] {strides = array<i32>} : memref<128x64xf32, #tpu.memory_space<vmem>>, vector<1x16xf32>,
      %swap3A_270 = vector.shape_cast %swap3A_269 : vector<1x16xf32> to vector<16xf32>
      %swap3A_271 = vector.shape_cast %div3A : vector<16xf32> to vector<1x16xf32>
      tpu.vector_store %arg7[%swap3A, %swap3A_268], %swap3A_271 {strides = array<i32>} : memref<128x64xf32, #tpu.memory_space<vmem>>, vector<1x16xf32>,
      %get3A_272 = arith.constant 0 : i32
      %get3A_273 = arith.index_cast %get3A_272 : i32 to index
      %get3A_274 = arith.index_cast %scan3A_198 : i32 to index
      %get3A_275 = arith.constant 16 : index
      %get3A_276 = tpu.vector_load %arg6[%get3A_273, %get3A_274, %get3A_275] {strides = array<i32>} : memref<8x128x64xf32, #tpu.memory_space<vmem>>, vector<1x1x16xf32>,
      %get3A_277 = vector.shape_cast %get3A_276 : vector<1x1x16xf32> to vector<16xf32>
      %mul3A_278 = arith.mulf %get3A_277, %get3A_277 : vector<16xf32>
      %get3A_279 = arith.constant 1 : i32
      %get3A_280 = arith.index_cast %get3A_279 : i32 to index
      %get3A_281 = arith.index_cast %scan3A_198 : i32 to index
      %get3A_282 = arith.constant 16 : index
      %get3A_283 = tpu.vector_load %arg6[%get3A_280, %get3A_281, %get3A_282] {strides = array<i32>} : memref<8x128x64xf32, #tpu.memory_space<vmem>>, vector<1x1x16xf32>,
      %get3A_284 = vector.shape_cast %get3A_283 : vector<1x1x16xf32> to vector<16xf32>
      %add3A_285 = arith.addf %get3A_277, %get3A_284 : vector<16xf32>
      %mul3A_286 = arith.mulf %get3A_284, %get3A_284 : vector<16xf32>
      %add3A_287 = arith.addf %mul3A_278, %mul3A_286 : vector<16xf32>
      %get3A_288 = arith.constant 2 : i32
      %get3A_289 = arith.index_cast %get3A_288 : i32 to index
      %get3A_290 = arith.index_cast %scan3A_198 : i32 to index
      %get3A_291 = arith.constant 16 : index
      %get3A_292 = tpu.vector_load %arg6[%get3A_289, %get3A_290, %get3A_291] {strides = array<i32>} : memref<8x128x64xf32, #tpu.memory_space<vmem>>, vector<1x1x16xf32>,
      %get3A_293 = vector.shape_cast %get3A_292 : vector<1x1x16xf32> to vector<16xf32>
      %add3A_294 = arith.addf %add3A_285, %get3A_293 : vector<16xf32>
      %mul3A_295 = arith.mulf %get3A_293, %get3A_293 : vector<16xf32>
      %add3A_296 = arith.addf %add3A_287, %mul3A_295 : vector<16xf32>
      %get3A_297 = arith.constant 3 : i32
      %get3A_298 = arith.index_cast %get3A_297 : i32 to index
      %get3A_299 = arith.index_cast %scan3A_198 : i32 to index
      %get3A_300 = arith.constant 16 : index
      %get3A_301 = tpu.vector_load %arg6[%get3A_298, %get3A_299, %get3A_300] {strides = array<i32>} : memref<8x128x64xf32, #tpu.memory_space<vmem>>, vector<1x1x16xf32>,
      %get3A_302 = vector.shape_cast %get3A_301 : vector<1x1x16xf32> to vector<16xf32>
      %add3A_303 = arith.addf %add3A_294, %get3A_302 : vector<16xf32>
      %mul3A_304 = arith.mulf %get3A_302, %get3A_302 : vector<16xf32>
      %add3A_305 = arith.addf %add3A_296, %mul3A_304 : vector<16xf32>
      %get3A_306 = arith.constant 4 : i32
      %get3A_307 = arith.index_cast %get3A_306 : i32 to index
      %get3A_308 = arith.index_cast %scan3A_198 : i32 to index
      %get3A_309 = arith.constant 16 : index
      %get3A_310 = tpu.vector_load %arg6[%get3A_307, %get3A_308, %get3A_309] {strides = array<i32>} : memref<8x128x64xf32, #tpu.memory_space<vmem>>, vector<1x1x16xf32>,
      %get3A_311 = vector.shape_cast %get3A_310 : vector<1x1x16xf32> to vector<16xf32>
      %add3A_312 = arith.addf %add3A_303, %get3A_311 : vector<16xf32>
      %mul3A_313 = arith.mulf %get3A_311, %get3A_311 : vector<16xf32>
      %add3A_314 = arith.addf %add3A_305, %mul3A_313 : vector<16xf32>
      %get3A_315 = arith.constant 5 : i32
      %get3A_316 = arith.index_cast %get3A_315 : i32 to index
      %get3A_317 = arith.index_cast %scan3A_198 : i32 to index
      %get3A_318 = arith.constant 16 : index
      %get3A_319 = tpu.vector_load %arg6[%get3A_316, %get3A_317, %get3A_318] {strides = array<i32>} : memref<8x128x64xf32, #tpu.memory_space<vmem>>, vector<1x1x16xf32>,
      %get3A_320 = vector.shape_cast %get3A_319 : vector<1x1x16xf32> to vector<16xf32>
      %add3A_321 = arith.addf %add3A_312, %get3A_320 : vector<16xf32>
      %mul3A_322 = arith.mulf %get3A_320, %get3A_320 : vector<16xf32>
      %add3A_323 = arith.addf %add3A_314, %mul3A_322 : vector<16xf32>
      %get3A_324 = arith.constant 6 : i32
      %get3A_325 = arith.index_cast %get3A_324 : i32 to index
      %get3A_326 = arith.index_cast %scan3A_198 : i32 to index
      %get3A_327 = arith.constant 16 : index
      %get3A_328 = tpu.vector_load %arg6[%get3A_325, %get3A_326, %get3A_327] {strides = array<i32>} : memref<8x128x64xf32, #tpu.memory_space<vmem>>, vector<1x1x16xf32>,
      %get3A_329 = vector.shape_cast %get3A_328 : vector<1x1x16xf32> to vector<16xf32>
      %add3A_330 = arith.addf %add3A_321, %get3A_329 : vector<16xf32>
      %mul3A_331 = arith.mulf %get3A_329, %get3A_329 : vector<16xf32>
      %add3A_332 = arith.addf %add3A_323, %mul3A_331 : vector<16xf32>
      %get3A_333 = arith.constant 7 : i32
      %get3A_334 = arith.index_cast %get3A_333 : i32 to index
      %get3A_335 = arith.index_cast %scan3A_198 : i32 to index
      %get3A_336 = arith.constant 16 : index
      %get3A_337 = tpu.vector_load %arg6[%get3A_334, %get3A_335, %get3A_336] {strides = array<i32>} : memref<8x128x64xf32, #tpu.memory_space<vmem>>, vector<1x1x16xf32>,
      %get3A_338 = vector.shape_cast %get3A_337 : vector<1x1x16xf32> to vector<16xf32>
      %add3A_339 = arith.addf %add3A_330, %get3A_338 : vector<16xf32>
      %mul3A_340 = arith.mulf %get3A_338, %get3A_338 : vector<16xf32>
      %add3A_341 = arith.addf %add3A_332, %mul3A_340 : vector<16xf32>
      %div3A_342 = arith.divf %add3A_341, %add3A_339 : vector<16xf32>
      %swap3A_343 = arith.index_cast %scan3A_198 : i32 to index
      %swap3A_344 = arith.constant 16 : index
      %swap3A_345 = tpu.vector_load %arg7[%swap3A_343, %swap3A_344] {strides = array<i32>} : memref<128x64xf32, #tpu.memory_space<vmem>>, vector<1x16xf32>,
      %swap3A_346 = vector.shape_cast %swap3A_345 : vector<1x16xf32> to vector<16xf32>
      %swap3A_347 = vector.shape_cast %div3A_342 : vector<16xf32> to vector<1x16xf32>
      tpu.vector_store %arg7[%swap3A_343, %swap3A_344], %swap3A_347 {strides = array<i32>} : memref<128x64xf32, #tpu.memory_space<vmem>>, vector<1x16xf32>,
      %get3A_348 = arith.constant 0 : i32
      %get3A_349 = arith.index_cast %get3A_348 : i32 to index
      %get3A_350 = arith.index_cast %scan3A_198 : i32 to index
      %get3A_351 = arith.constant 32 : index
      %get3A_352 = tpu.vector_load %arg6[%get3A_349, %get3A_350, %get3A_351] {strides = array<i32>} : memref<8x128x64xf32, #tpu.memory_space<vmem>>, vector<1x1x16xf32>,
      %get3A_353 = vector.shape_cast %get3A_352 : vector<1x1x16xf32> to vector<16xf32>
      %mul3A_354 = arith.mulf %get3A_353, %get3A_353 : vector<16xf32>
      %get3A_355 = arith.constant 1 : i32
      %get3A_356 = arith.index_cast %get3A_355 : i32 to index
      %get3A_357 = arith.index_cast %scan3A_198 : i32 to index
      %get3A_358 = arith.constant 32 : index
      %get3A_359 = tpu.vector_load %arg6[%get3A_356, %get3A_357, %get3A_358] {strides = array<i32>} : memref<8x128x64xf32, #tpu.memory_space<vmem>>, vector<1x1x16xf32>,
      %get3A_360 = vector.shape_cast %get3A_359 : vector<1x1x16xf32> to vector<16xf32>
      %add3A_361 = arith.addf %get3A_353, %get3A_360 : vector<16xf32>
      %mul3A_362 = arith.mulf %get3A_360, %get3A_360 : vector<16xf32>
      %add3A_363 = arith.addf %mul3A_354, %mul3A_362 : vector<16xf32>
      %get3A_364 = arith.constant 2 : i32
      %get3A_365 = arith.index_cast %get3A_364 : i32 to index
      %get3A_366 = arith.index_cast %scan3A_198 : i32 to index
      %get3A_367 = arith.constant 32 : index
      %get3A_368 = tpu.vector_load %arg6[%get3A_365, %get3A_366, %get3A_367] {strides = array<i32>} : memref<8x128x64xf32, #tpu.memory_space<vmem>>, vector<1x1x16xf32>,
      %get3A_369 = vector.shape_cast %get3A_368 : vector<1x1x16xf32> to vector<16xf32>
      %add3A_370 = arith.addf %add3A_361, %get3A_369 : vector<16xf32>
      %mul3A_371 = arith.mulf %get3A_369, %get3A_369 : vector<16xf32>
      %add3A_372 = arith.addf %add3A_363, %mul3A_371 : vector<16xf32>
      %get3A_373 = arith.constant 3 : i32
      %get3A_374 = arith.index_cast %get3A_373 : i32 to index
      %get3A_375 = arith.index_cast %scan3A_198 : i32 to index
      %get3A_376 = arith.constant 32 : index
      %get3A_377 = tpu.vector_load %arg6[%get3A_374, %get3A_375, %get3A_376] {strides = array<i32>} : memref<8x128x64xf32, #tpu.memory_space<vmem>>, vector<1x1x16xf32>,
      %get3A_378 = vector.shape_cast %get3A_377 : vector<1x1x16xf32> to vector<16xf32>
      %add3A_379 = arith.addf %add3A_370, %get3A_378 : vector<16xf32>
      %mul3A_380 = arith.mulf %get3A_378, %get3A_378 : vector<16xf32>
      %add3A_381 = arith.addf %add3A_372, %mul3A_380 : vector<16xf32>
      %get3A_382 = arith.constant 4 : i32
      %get3A_383 = arith.index_cast %get3A_382 : i32 to index
      %get3A_384 = arith.index_cast %scan3A_198 : i32 to index
      %get3A_385 = arith.constant 32 : index
      %get3A_386 = tpu.vector_load %arg6[%get3A_383, %get3A_384, %get3A_385] {strides = array<i32>} : memref<8x128x64xf32, #tpu.memory_space<vmem>>, vector<1x1x16xf32>,
      %get3A_387 = vector.shape_cast %get3A_386 : vector<1x1x16xf32> to vector<16xf32>
      %add3A_388 = arith.addf %add3A_379, %get3A_387 : vector<16xf32>
      %mul3A_389 = arith.mulf %get3A_387, %get3A_387 : vector<16xf32>
      %add3A_390 = arith.addf %add3A_381, %mul3A_389 : vector<16xf32>
      %get3A_391 = arith.constant 5 : i32
      %get3A_392 = arith.index_cast %get3A_391 : i32 to index
      %get3A_393 = arith.index_cast %scan3A_198 : i32 to index
      %get3A_394 = arith.constant 32 : index
      %get3A_395 = tpu.vector_load %arg6[%get3A_392, %get3A_393, %get3A_394] {strides = array<i32>} : memref<8x128x64xf32, #tpu.memory_space<vmem>>, vector<1x1x16xf32>,
      %get3A_396 = vector.shape_cast %get3A_395 : vector<1x1x16xf32> to vector<16xf32>
      %add3A_397 = arith.addf %add3A_388, %get3A_396 : vector<16xf32>
      %mul3A_398 = arith.mulf %get3A_396, %get3A_396 : vector<16xf32>
      %add3A_399 = arith.addf %add3A_390, %mul3A_398 : vector<16xf32>
      %get3A_400 = arith.constant 6 : i32
      %get3A_401 = arith.index_cast %get3A_400 : i32 to index
      %get3A_402 = arith.index_cast %scan3A_198 : i32 to index
      %get3A_403 = arith.constant 32 : index
      %get3A_404 = tpu.vector_load %arg6[%get3A_401, %get3A_402, %get3A_403] {strides = array<i32>} : memref<8x128x64xf32, #tpu.memory_space<vmem>>, vector<1x1x16xf32>,
      %get3A_405 = vector.shape_cast %get3A_404 : vector<1x1x16xf32> to vector<16xf32>
      %add3A_406 = arith.addf %add3A_397, %get3A_405 : vector<16xf32>
      %mul3A_407 = arith.mulf %get3A_405, %get3A_405 : vector<16xf32>
      %add3A_408 = arith.addf %add3A_399, %mul3A_407 : vector<16xf32>
      %get3A_409 = arith.constant 7 : i32
      %get3A_410 = arith.index_cast %get3A_409 : i32 to index
      %get3A_411 = arith.index_cast %scan3A_198 : i32 to index
      %get3A_412 = arith.constant 32 : index
      %get3A_413 = tpu.vector_load %arg6[%get3A_410, %get3A_411, %get3A_412] {strides = array<i32>} : memref<8x128x64xf32, #tpu.memory_space<vmem>>, vector<1x1x16xf32>,
      %get3A_414 = vector.shape_cast %get3A_413 : vector<1x1x16xf32> to vector<16xf32>
      %add3A_415 = arith.addf %add3A_406, %get3A_414 : vector<16xf32>
      %mul3A_416 = arith.mulf %get3A_414, %get3A_414 : vector<16xf32>
      %add3A_417 = arith.addf %add3A_408, %mul3A_416 : vector<16xf32>
      %div3A_418 = arith.divf %add3A_417, %add3A_415 : vector<16xf32>
      %swap3A_419 = arith.index_cast %scan3A_198 : i32 to index
      %swap3A_420 = arith.constant 32 : index
      %swap3A_421 = tpu.vector_load %arg7[%swap3A_419, %swap3A_420] {strides = array<i32>} : memref<128x64xf32, #tpu.memory_space<vmem>>, vector<1x16xf32>,
      %swap3A_422 = vector.shape_cast %swap3A_421 : vector<1x16xf32> to vector<16xf32>
      %swap3A_423 = vector.shape_cast %div3A_418 : vector<16xf32> to vector<1x16xf32>
      tpu.vector_store %arg7[%swap3A_419, %swap3A_420], %swap3A_423 {strides = array<i32>} : memref<128x64xf32, #tpu.memory_space<vmem>>, vector<1x16xf32>,
      %get3A_424 = arith.constant 0 : i32
      %get3A_425 = arith.index_cast %get3A_424 : i32 to index
      %get3A_426 = arith.index_cast %scan3A_198 : i32 to index
      %get3A_427 = arith.constant 48 : index
      %get3A_428 = tpu.vector_load %arg6[%get3A_425, %get3A_426, %get3A_427] {strides = array<i32>} : memref<8x128x64xf32, #tpu.memory_space<vmem>>, vector<1x1x16xf32>,
      %get3A_429 = vector.shape_cast %get3A_428 : vector<1x1x16xf32> to vector<16xf32>
      %mul3A_430 = arith.mulf %get3A_429, %get3A_429 : vector<16xf32>
      %get3A_431 = arith.constant 1 : i32
      %get3A_432 = arith.index_cast %get3A_431 : i32 to index
      %get3A_433 = arith.index_cast %scan3A_198 : i32 to index
      %get3A_434 = arith.constant 48 : index
      %get3A_435 = tpu.vector_load %arg6[%get3A_432, %get3A_433, %get3A_434] {strides = array<i32>} : memref<8x128x64xf32, #tpu.memory_space<vmem>>, vector<1x1x16xf32>,
      %get3A_436 = vector.shape_cast %get3A_435 : vector<1x1x16xf32> to vector<16xf32>
      %add3A_437 = arith.addf %get3A_429, %get3A_436 : vector<16xf32>
      %mul3A_438 = arith.mulf %get3A_436, %get3A_436 : vector<16xf32>
      %add3A_439 = arith.addf %mul3A_430, %mul3A_438 : vector<16xf32>
      %get3A_440 = arith.constant 2 : i32
      %get3A_441 = arith.index_cast %get3A_440 : i32 to index
      %get3A_442 = arith.index_cast %scan3A_198 : i32 to index
      %get3A_443 = arith.constant 48 : index
      %get3A_444 = tpu.vector_load %arg6[%get3A_441, %get3A_442, %get3A_443] {strides = array<i32>} : memref<8x128x64xf32, #tpu.memory_space<vmem>>, vector<1x1x16xf32>,
      %get3A_445 = vector.shape_cast %get3A_444 : vector<1x1x16xf32> to vector<16xf32>
      %add3A_446 = arith.addf %add3A_437, %get3A_445 : vector<16xf32>
      %mul3A_447 = arith.mulf %get3A_445, %get3A_445 : vector<16xf32>
      %add3A_448 = arith.addf %add3A_439, %mul3A_447 : vector<16xf32>
      %get3A_449 = arith.constant 3 : i32
      %get3A_450 = arith.index_cast %get3A_449 : i32 to index
      %get3A_451 = arith.index_cast %scan3A_198 : i32 to index
      %get3A_452 = arith.constant 48 : index
      %get3A_453 = tpu.vector_load %arg6[%get3A_450, %get3A_451, %get3A_452] {strides = array<i32>} : memref<8x128x64xf32, #tpu.memory_space<vmem>>, vector<1x1x16xf32>,
      %get3A_454 = vector.shape_cast %get3A_453 : vector<1x1x16xf32> to vector<16xf32>
      %add3A_455 = arith.addf %add3A_446, %get3A_454 : vector<16xf32>
      %mul3A_456 = arith.mulf %get3A_454, %get3A_454 : vector<16xf32>
      %add3A_457 = arith.addf %add3A_448, %mul3A_456 : vector<16xf32>
      %get3A_458 = arith.constant 4 : i32
      %get3A_459 = arith.index_cast %get3A_458 : i32 to index
      %get3A_460 = arith.index_cast %scan3A_198 : i32 to index
      %get3A_461 = arith.constant 48 : index
      %get3A_462 = tpu.vector_load %arg6[%get3A_459, %get3A_460, %get3A_461] {strides = array<i32>} : memref<8x128x64xf32, #tpu.memory_space<vmem>>, vector<1x1x16xf32>,
      %get3A_463 = vector.shape_cast %get3A_462 : vector<1x1x16xf32> to vector<16xf32>
      %add3A_464 = arith.addf %add3A_455, %get3A_463 : vector<16xf32>
      %mul3A_465 = arith.mulf %get3A_463, %get3A_463 : vector<16xf32>
      %add3A_466 = arith.addf %add3A_457, %mul3A_465 : vector<16xf32>
      %get3A_467 = arith.constant 5 : i32
      %get3A_468 = arith.index_cast %get3A_467 : i32 to index
      %get3A_469 = arith.index_cast %scan3A_198 : i32 to index
      %get3A_470 = arith.constant 48 : index
      %get3A_471 = tpu.vector_load %arg6[%get3A_468, %get3A_469, %get3A_470] {strides = array<i32>} : memref<8x128x64xf32, #tpu.memory_space<vmem>>, vector<1x1x16xf32>,
      %get3A_472 = vector.shape_cast %get3A_471 : vector<1x1x16xf32> to vector<16xf32>
      %add3A_473 = arith.addf %add3A_464, %get3A_472 : vector<16xf32>
      %mul3A_474 = arith.mulf %get3A_472, %get3A_472 : vector<16xf32>
      %add3A_475 = arith.addf %add3A_466, %mul3A_474 : vector<16xf32>
      %get3A_476 = arith.constant 6 : i32
      %get3A_477 = arith.index_cast %get3A_476 : i32 to index
      %get3A_478 = arith.index_cast %scan3A_198 : i32 to index
      %get3A_479 = arith.constant 48 : index
      %get3A_480 = tpu.vector_load %arg6[%get3A_477, %get3A_478, %get3A_479] {strides = array<i32>} : memref<8x128x64xf32, #tpu.memory_space<vmem>>, vector<1x1x16xf32>,
      %get3A_481 = vector.shape_cast %get3A_480 : vector<1x1x16xf32> to vector<16xf32>
      %add3A_482 = arith.addf %add3A_473, %get3A_481 : vector<16xf32>
      %mul3A_483 = arith.mulf %get3A_481, %get3A_481 : vector<16xf32>
      %add3A_484 = arith.addf %add3A_475, %mul3A_483 : vector<16xf32>
      %get3A_485 = arith.constant 7 : i32
      %get3A_486 = arith.index_cast %get3A_485 : i32 to index
      %get3A_487 = arith.index_cast %scan3A_198 : i32 to index
      %get3A_488 = arith.constant 48 : index
      %get3A_489 = tpu.vector_load %arg6[%get3A_486, %get3A_487, %get3A_488] {strides = array<i32>} : memref<8x128x64xf32, #tpu.memory_space<vmem>>, vector<1x1x16xf32>,
      %get3A_490 = vector.shape_cast %get3A_489 : vector<1x1x16xf32> to vector<16xf32>
      %add3A_491 = arith.addf %add3A_482, %get3A_490 : vector<16xf32>
      %mul3A_492 = arith.mulf %get3A_490, %get3A_490 : vector<16xf32>
      %add3A_493 = arith.addf %add3A_484, %mul3A_492 : vector<16xf32>
      %div3A_494 = arith.divf %add3A_493, %add3A_491 : vector<16xf32>
      %swap3A_495 = arith.index_cast %scan3A_198 : i32 to index
      %swap3A_496 = arith.constant 48 : index
      %swap3A_497 = tpu.vector_load %arg7[%swap3A_495, %swap3A_496] {strides = array<i32>} : memref<128x64xf32, #tpu.memory_space<vmem>>, vector<1x16xf32>,
      %swap3A_498 = vector.shape_cast %swap3A_497 : vector<1x16xf32> to vector<16xf32>
      %swap3A_499 = vector.shape_cast %div3A_494 : vector<16xf32> to vector<1x16xf32>
      tpu.vector_store %arg7[%swap3A_495, %swap3A_496], %swap3A_499 {strides = array<i32>} : memref<128x64xf32, #tpu.memory_space<vmem>>, vector<1x16xf32>,
    }
    %scan3A_197 = arith.constant 128 : i32
    "tpu.region"() ({
      %run_scoped3A = tpu.sem_alloc : memref<!tpu.dma_semaphore, #tpu.memory_space<semaphore_mem>>
      %dma_start3A_198 = arith.constant 0 : i32
      %dma_start3A_199 = tpu.memref_slice %arg4[%mul3A_2, %dma_start3A_198] : memref<4096x64xf32, #tpu.memory_space<hbm>> -> memref<128x64xf32, #tpu.memory_space<hbm>>
      %dma_start3A_200 = arith.constant 0 : i32
      %dma_start3A_201 = tpu.memref_slice %arg4[%mul3A_2, %dma_start3A_200] : memref<4096x64xf32, #tpu.memory_space<hbm>> -> memref<128x64xf32, #tpu.memory_space<hbm>>
      tpu.enqueue_dma source(%arg7 : memref<128x64xf32, #tpu.memory_space<vmem>>) target(%dma_start3A_201 : memref<128x64xf32, #tpu.memory_space<hbm>>) target_semaphore(%run_scoped3A : memref<!tpu.dma_semaphore, #tpu.memory_space<semaphore_mem>>)
      %dma_wait3A_202 = arith.constant 0 : i32
      %dma_wait3A_203 = tpu.memref_slice %arg4[%mul3A_2, %dma_wait3A_202] : memref<4096x64xf32, #tpu.memory_space<hbm>> -> memref<128x64xf32, #tpu.memory_space<hbm>>
      %dma_wait3A_204 = arith.constant 0 : i32
      %dma_wait3A_205 = tpu.memref_slice %arg4[%mul3A_2, %dma_wait3A_204] : memref<4096x64xf32, #tpu.memory_space<hbm>> -> memref<128x64xf32, #tpu.memory_space<hbm>>
      tpu.wait_dma2 semaphore(%run_scoped3A : memref<!tpu.dma_semaphore, #tpu.memory_space<semaphore_mem>>) src(%arg7 : memref<128x64xf32, #tpu.memory_space<vmem>>) dst(%dma_wait3A_205 : memref<128x64xf32, #tpu.memory_space<hbm>>)
      tpu.yield
    }) : () -> ()
    return
  }
}

module attributes {stable_mosaic.version = 14 : i64} {
  func.func @_topk_tc_body(%arg0: i32, %arg1: memref<256x64xf32, #tpu.memory_space<vmem>>, %arg2: memref<8192x64xf32, #tpu.memory_space<vmem>>, %arg3: memref<8x256xi32, #tpu.memory_space<vmem>>) attributes {dimension_semantics = [#tpu.dimension_semantics<arbitrary>], iteration_bounds = array<i64: 16>, scalar_prefetch = 0 : i64, scratch_operands = 0 : i64, tpu.core_type = #tpu.core_type<tc>, window_params = [{transform_indices = @transform_0, window_bounds = array<i64: 256, 64>}, {pipeline_mode = #tpu.pipeline_mode<synchronous>, transform_indices = @transform_1, window_bounds = array<i64: 8192, 64>}, {transform_indices = @transform_2, window_bounds = array<i64: 8, 256>}]} {
    %get3A = arith.constant 0 : index
    %get3A_0 = arith.constant 0 : index
    %get3A_1 = vector.load %arg1[%get3A, %get3A_0] : memref<256x64xf32, #tpu.memory_space<vmem>>, vector<256x64xf32>
    %get3A_2 = arith.constant 0 : index
    %get3A_3 = arith.constant 0 : index
    %get3A_4 = vector.load %arg2[%get3A_2, %get3A_3] : memref<8192x64xf32, #tpu.memory_space<vmem>>, vector<8192x64xf32>
    %dot_general3A = arith.constant dense<0.000000e+00> : vector<256x8192xf32>
    %dot_general3A_5 = tpu.matmul %get3A_1, %get3A_4, %dot_general3A {dimension_numbers = #tpu.dot_dimension_numbers<[1], [1], [0], [0], [0, 0, 1, 0], [], []>, transpose_lhs_hint = false} : vector<256x64xf32>, vector<8192x64xf32>, vector<256x8192xf32> -> vector<256x8192xf32>
    %mul3A = arith.mulf %get3A_4, %get3A_4 : vector<8192x64xf32>
    %reduce_sum3A = arith.constant dense<0.000000e+00> : vector<8192xf32>
    %reduce_sum3A_6 = vector.multi_reduction <add>, %mul3A, %reduce_sum3A [1] : vector<8192x64xf32> to vector<8192xf32>
    %broadcast_in_dim3A = vector.shape_cast %reduce_sum3A_6 : vector<8192xf32> to vector<1x8192xf32>
    %mul3A_7 = arith.mulf %get3A_1, %get3A_1 : vector<256x64xf32>
    %reduce_sum3A_8 = arith.constant dense<0.000000e+00> : vector<256xf32>
    %reduce_sum3A_9 = vector.multi_reduction <add>, %mul3A_7, %reduce_sum3A_8 [1] : vector<256x64xf32> to vector<256xf32>
    %broadcast_in_dim3A_10 = vector.shape_cast %reduce_sum3A_9 : vector<256xf32> to vector<256x1xf32>
    %add3A = vector.broadcast %broadcast_in_dim3A_10 : vector<256x1xf32> to vector<256x8192xf32>
    %add3A_11 = vector.broadcast %broadcast_in_dim3A : vector<1x8192xf32> to vector<256x8192xf32>
    %add3A_12 = arith.addf %add3A, %add3A_11 : vector<256x8192xf32>
    %mul3A_13 = arith.constant 2.000000e+00 : f32
    %mul3A_14 = vector.broadcast %mul3A_13 : f32 to vector<256x8192xf32>
    %mul3A_15 = arith.mulf %mul3A_14, %dot_general3A_5 : vector<256x8192xf32>
    %sub3A = arith.subf %add3A_12, %mul3A_15 : vector<256x8192xf32>
    %iota3A = tpu.iota {dimensions = array<i32: 1>} : vector<256x8192xi32>
    %reduce_min3A = arith.constant dense<0x7F800000> : vector<256xf32>
    %reduce_min3A_16 = vector.multi_reduction <minimumf>, %sub3A, %reduce_min3A [1] : vector<256x8192xf32> to vector<256xf32>
    %broadcast_in_dim3A_17 = vector.shape_cast %reduce_min3A_16 : vector<256xf32> to vector<256x1xf32>
    %eq3A = vector.broadcast %broadcast_in_dim3A_17 : vector<256x1xf32> to vector<256x8192xf32>
    %eq3A_18 = arith.cmpf oeq, %sub3A, %eq3A : vector<256x8192xf32>
    %jit3A = arith.constant 8192 : i32
    %broadcast_in_dim3A_19 = vector.broadcast %jit3A : i32 to vector<256x8192xi32>
    %select_n3A = arith.select %eq3A_18, %iota3A, %broadcast_in_dim3A_19 : vector<256x8192xi1>, vector<256x8192xi32>
    %reduce_min3A_20 = arith.constant dense<2147483647> : vector<256xi32>
    %reduce_min3A_21 = vector.multi_reduction <minsi>, %select_n3A, %reduce_min3A_20 [1] : vector<256x8192xi32> to vector<256xi32>
    %swap3A = arith.constant 0 : index
    %swap3A_22 = arith.constant 0 : index
    %swap3A_23 = vector.load %arg3[%swap3A, %swap3A_22] : memref<8x256xi32, #tpu.memory_space<vmem>>, vector<1x256xi32>
    %swap3A_24 = vector.shape_cast %swap3A_23 : vector<1x256xi32> to vector<256xi32>
    %swap3A_25 = vector.shape_cast %reduce_min3A_21 : vector<256xi32> to vector<1x256xi32>
    tpu.vector_store %arg3[%swap3A, %swap3A_22], %swap3A_25 {strides = array<i32>} : memref<8x256xi32, #tpu.memory_space<vmem>>, vector<1x256xi32>,
    %broadcast_in_dim3A_26 = vector.shape_cast %reduce_min3A_21 : vector<256xi32> to vector<256x1xi32>
    %eq3A_27 = vector.broadcast %broadcast_in_dim3A_26 : vector<256x1xi32> to vector<256x8192xi32>
    %eq3A_28 = arith.cmpi eq, %iota3A, %eq3A_27 : vector<256x8192xi32>
    %jit3A_29 = arith.constant 0x7F800000 : f32
    %broadcast_in_dim3A_30 = vector.broadcast %jit3A_29 : f32 to vector<256x8192xf32>
    %select_n3A_31 = arith.select %eq3A_28, %broadcast_in_dim3A_30, %sub3A : vector<256x8192xi1>, vector<256x8192xf32>
    %reduce_min3A_32 = arith.constant dense<0x7F800000> : vector<256xf32>
    %reduce_min3A_33 = vector.multi_reduction <minimumf>, %select_n3A_31, %reduce_min3A_32 [1] : vector<256x8192xf32> to vector<256xf32>
    %broadcast_in_dim3A_34 = vector.shape_cast %reduce_min3A_33 : vector<256xf32> to vector<256x1xf32>
    %eq3A_35 = vector.broadcast %broadcast_in_dim3A_34 : vector<256x1xf32> to vector<256x8192xf32>
    %eq3A_36 = arith.cmpf oeq, %select_n3A_31, %eq3A_35 : vector<256x8192xf32>
    %jit3A_37 = arith.constant 8192 : i32
    %broadcast_in_dim3A_38 = vector.broadcast %jit3A_37 : i32 to vector<256x8192xi32>
    %select_n3A_39 = arith.select %eq3A_36, %iota3A, %broadcast_in_dim3A_38 : vector<256x8192xi1>, vector<256x8192xi32>
    %reduce_min3A_40 = arith.constant dense<2147483647> : vector<256xi32>
    %reduce_min3A_41 = vector.multi_reduction <minsi>, %select_n3A_39, %reduce_min3A_40 [1] : vector<256x8192xi32> to vector<256xi32>
    %swap3A_42 = arith.constant 1 : index
    %swap3A_43 = arith.constant 0 : index
    %swap3A_44 = vector.load %arg3[%swap3A_42, %swap3A_43] : memref<8x256xi32, #tpu.memory_space<vmem>>, vector<1x256xi32>
    %swap3A_45 = vector.shape_cast %swap3A_44 : vector<1x256xi32> to vector<256xi32>
    %swap3A_46 = vector.shape_cast %reduce_min3A_41 : vector<256xi32> to vector<1x256xi32>
    tpu.vector_store %arg3[%swap3A_42, %swap3A_43], %swap3A_46 {strides = array<i32>} : memref<8x256xi32, #tpu.memory_space<vmem>>, vector<1x256xi32>,
    %broadcast_in_dim3A_47 = vector.shape_cast %reduce_min3A_41 : vector<256xi32> to vector<256x1xi32>
    %eq3A_48 = vector.broadcast %broadcast_in_dim3A_47 : vector<256x1xi32> to vector<256x8192xi32>
    %eq3A_49 = arith.cmpi eq, %iota3A, %eq3A_48 : vector<256x8192xi32>
    %jit3A_50 = arith.constant 0x7F800000 : f32
    %broadcast_in_dim3A_51 = vector.broadcast %jit3A_50 : f32 to vector<256x8192xf32>
    %select_n3A_52 = arith.select %eq3A_49, %broadcast_in_dim3A_51, %select_n3A_31 : vector<256x8192xi1>, vector<256x8192xf32>
    %reduce_min3A_53 = arith.constant dense<0x7F800000> : vector<256xf32>
    %reduce_min3A_54 = vector.multi_reduction <minimumf>, %select_n3A_52, %reduce_min3A_53 [1] : vector<256x8192xf32> to vector<256xf32>
    %broadcast_in_dim3A_55 = vector.shape_cast %reduce_min3A_54 : vector<256xf32> to vector<256x1xf32>
    %eq3A_56 = vector.broadcast %broadcast_in_dim3A_55 : vector<256x1xf32> to vector<256x8192xf32>
    %eq3A_57 = arith.cmpf oeq, %select_n3A_52, %eq3A_56 : vector<256x8192xf32>
    %jit3A_58 = arith.constant 8192 : i32
    %broadcast_in_dim3A_59 = vector.broadcast %jit3A_58 : i32 to vector<256x8192xi32>
    %select_n3A_60 = arith.select %eq3A_57, %iota3A, %broadcast_in_dim3A_59 : vector<256x8192xi1>, vector<256x8192xi32>
    %reduce_min3A_61 = arith.constant dense<2147483647> : vector<256xi32>
    %reduce_min3A_62 = vector.multi_reduction <minsi>, %select_n3A_60, %reduce_min3A_61 [1] : vector<256x8192xi32> to vector<256xi32>
    %swap3A_63 = arith.constant 2 : index
    %swap3A_64 = arith.constant 0 : index
    %swap3A_65 = vector.load %arg3[%swap3A_63, %swap3A_64] : memref<8x256xi32, #tpu.memory_space<vmem>>, vector<1x256xi32>
    %swap3A_66 = vector.shape_cast %swap3A_65 : vector<1x256xi32> to vector<256xi32>
    %swap3A_67 = vector.shape_cast %reduce_min3A_62 : vector<256xi32> to vector<1x256xi32>
    tpu.vector_store %arg3[%swap3A_63, %swap3A_64], %swap3A_67 {strides = array<i32>} : memref<8x256xi32, #tpu.memory_space<vmem>>, vector<1x256xi32>,
    %broadcast_in_dim3A_68 = vector.shape_cast %reduce_min3A_62 : vector<256xi32> to vector<256x1xi32>
    %eq3A_69 = vector.broadcast %broadcast_in_dim3A_68 : vector<256x1xi32> to vector<256x8192xi32>
    %eq3A_70 = arith.cmpi eq, %iota3A, %eq3A_69 : vector<256x8192xi32>
    %jit3A_71 = arith.constant 0x7F800000 : f32
    %broadcast_in_dim3A_72 = vector.broadcast %jit3A_71 : f32 to vector<256x8192xf32>
    %select_n3A_73 = arith.select %eq3A_70, %broadcast_in_dim3A_72, %select_n3A_52 : vector<256x8192xi1>, vector<256x8192xf32>
    %reduce_min3A_74 = arith.constant dense<0x7F800000> : vector<256xf32>
    %reduce_min3A_75 = vector.multi_reduction <minimumf>, %select_n3A_73, %reduce_min3A_74 [1] : vector<256x8192xf32> to vector<256xf32>
    %broadcast_in_dim3A_76 = vector.shape_cast %reduce_min3A_75 : vector<256xf32> to vector<256x1xf32>
    %eq3A_77 = vector.broadcast %broadcast_in_dim3A_76 : vector<256x1xf32> to vector<256x8192xf32>
    %eq3A_78 = arith.cmpf oeq, %select_n3A_73, %eq3A_77 : vector<256x8192xf32>
    %jit3A_79 = arith.constant 8192 : i32
    %broadcast_in_dim3A_80 = vector.broadcast %jit3A_79 : i32 to vector<256x8192xi32>
    %select_n3A_81 = arith.select %eq3A_78, %iota3A, %broadcast_in_dim3A_80 : vector<256x8192xi1>, vector<256x8192xi32>
    %reduce_min3A_82 = arith.constant dense<2147483647> : vector<256xi32>
    %reduce_min3A_83 = vector.multi_reduction <minsi>, %select_n3A_81, %reduce_min3A_82 [1] : vector<256x8192xi32> to vector<256xi32>
    %swap3A_84 = arith.constant 3 : index
    %swap3A_85 = arith.constant 0 : index
    %swap3A_86 = vector.load %arg3[%swap3A_84, %swap3A_85] : memref<8x256xi32, #tpu.memory_space<vmem>>, vector<1x256xi32>
    %swap3A_87 = vector.shape_cast %swap3A_86 : vector<1x256xi32> to vector<256xi32>
    %swap3A_88 = vector.shape_cast %reduce_min3A_83 : vector<256xi32> to vector<1x256xi32>
    tpu.vector_store %arg3[%swap3A_84, %swap3A_85], %swap3A_88 {strides = array<i32>} : memref<8x256xi32, #tpu.memory_space<vmem>>, vector<1x256xi32>,
    %broadcast_in_dim3A_89 = vector.shape_cast %reduce_min3A_83 : vector<256xi32> to vector<256x1xi32>
    %eq3A_90 = vector.broadcast %broadcast_in_dim3A_89 : vector<256x1xi32> to vector<256x8192xi32>
    %eq3A_91 = arith.cmpi eq, %iota3A, %eq3A_90 : vector<256x8192xi32>
    %jit3A_92 = arith.constant 0x7F800000 : f32
    %broadcast_in_dim3A_93 = vector.broadcast %jit3A_92 : f32 to vector<256x8192xf32>
    %select_n3A_94 = arith.select %eq3A_91, %broadcast_in_dim3A_93, %select_n3A_73 : vector<256x8192xi1>, vector<256x8192xf32>
    %reduce_min3A_95 = arith.constant dense<0x7F800000> : vector<256xf32>
    %reduce_min3A_96 = vector.multi_reduction <minimumf>, %select_n3A_94, %reduce_min3A_95 [1] : vector<256x8192xf32> to vector<256xf32>
    %broadcast_in_dim3A_97 = vector.shape_cast %reduce_min3A_96 : vector<256xf32> to vector<256x1xf32>
    %eq3A_98 = vector.broadcast %broadcast_in_dim3A_97 : vector<256x1xf32> to vector<256x8192xf32>
    %eq3A_99 = arith.cmpf oeq, %select_n3A_94, %eq3A_98 : vector<256x8192xf32>
    %jit3A_100 = arith.constant 8192 : i32
    %broadcast_in_dim3A_101 = vector.broadcast %jit3A_100 : i32 to vector<256x8192xi32>
    %select_n3A_102 = arith.select %eq3A_99, %iota3A, %broadcast_in_dim3A_101 : vector<256x8192xi1>, vector<256x8192xi32>
    %reduce_min3A_103 = arith.constant dense<2147483647> : vector<256xi32>
    %reduce_min3A_104 = vector.multi_reduction <minsi>, %select_n3A_102, %reduce_min3A_103 [1] : vector<256x8192xi32> to vector<256xi32>
    %swap3A_105 = arith.constant 4 : index
    %swap3A_106 = arith.constant 0 : index
    %swap3A_107 = vector.load %arg3[%swap3A_105, %swap3A_106] : memref<8x256xi32, #tpu.memory_space<vmem>>, vector<1x256xi32>
    %swap3A_108 = vector.shape_cast %swap3A_107 : vector<1x256xi32> to vector<256xi32>
    %swap3A_109 = vector.shape_cast %reduce_min3A_104 : vector<256xi32> to vector<1x256xi32>
    tpu.vector_store %arg3[%swap3A_105, %swap3A_106], %swap3A_109 {strides = array<i32>} : memref<8x256xi32, #tpu.memory_space<vmem>>, vector<1x256xi32>,
    %broadcast_in_dim3A_110 = vector.shape_cast %reduce_min3A_104 : vector<256xi32> to vector<256x1xi32>
    %eq3A_111 = vector.broadcast %broadcast_in_dim3A_110 : vector<256x1xi32> to vector<256x8192xi32>
    %eq3A_112 = arith.cmpi eq, %iota3A, %eq3A_111 : vector<256x8192xi32>
    %jit3A_113 = arith.constant 0x7F800000 : f32
    %broadcast_in_dim3A_114 = vector.broadcast %jit3A_113 : f32 to vector<256x8192xf32>
    %select_n3A_115 = arith.select %eq3A_112, %broadcast_in_dim3A_114, %select_n3A_94 : vector<256x8192xi1>, vector<256x8192xf32>
    %reduce_min3A_116 = arith.constant dense<0x7F800000> : vector<256xf32>
    %reduce_min3A_117 = vector.multi_reduction <minimumf>, %select_n3A_115, %reduce_min3A_116 [1] : vector<256x8192xf32> to vector<256xf32>
    %broadcast_in_dim3A_118 = vector.shape_cast %reduce_min3A_117 : vector<256xf32> to vector<256x1xf32>
    %eq3A_119 = vector.broadcast %broadcast_in_dim3A_118 : vector<256x1xf32> to vector<256x8192xf32>
    %eq3A_120 = arith.cmpf oeq, %select_n3A_115, %eq3A_119 : vector<256x8192xf32>
    %jit3A_121 = arith.constant 8192 : i32
    %broadcast_in_dim3A_122 = vector.broadcast %jit3A_121 : i32 to vector<256x8192xi32>
    %select_n3A_123 = arith.select %eq3A_120, %iota3A, %broadcast_in_dim3A_122 : vector<256x8192xi1>, vector<256x8192xi32>
    %reduce_min3A_124 = arith.constant dense<2147483647> : vector<256xi32>
    %reduce_min3A_125 = vector.multi_reduction <minsi>, %select_n3A_123, %reduce_min3A_124 [1] : vector<256x8192xi32> to vector<256xi32>
    %swap3A_126 = arith.constant 5 : index
    %swap3A_127 = arith.constant 0 : index
    %swap3A_128 = vector.load %arg3[%swap3A_126, %swap3A_127] : memref<8x256xi32, #tpu.memory_space<vmem>>, vector<1x256xi32>
    %swap3A_129 = vector.shape_cast %swap3A_128 : vector<1x256xi32> to vector<256xi32>
    %swap3A_130 = vector.shape_cast %reduce_min3A_125 : vector<256xi32> to vector<1x256xi32>
    tpu.vector_store %arg3[%swap3A_126, %swap3A_127], %swap3A_130 {strides = array<i32>} : memref<8x256xi32, #tpu.memory_space<vmem>>, vector<1x256xi32>,
    %broadcast_in_dim3A_131 = vector.shape_cast %reduce_min3A_125 : vector<256xi32> to vector<256x1xi32>
    %eq3A_132 = vector.broadcast %broadcast_in_dim3A_131 : vector<256x1xi32> to vector<256x8192xi32>
    %eq3A_133 = arith.cmpi eq, %iota3A, %eq3A_132 : vector<256x8192xi32>
    %jit3A_134 = arith.constant 0x7F800000 : f32
    %broadcast_in_dim3A_135 = vector.broadcast %jit3A_134 : f32 to vector<256x8192xf32>
    %select_n3A_136 = arith.select %eq3A_133, %broadcast_in_dim3A_135, %select_n3A_115 : vector<256x8192xi1>, vector<256x8192xf32>
    %reduce_min3A_137 = arith.constant dense<0x7F800000> : vector<256xf32>
    %reduce_min3A_138 = vector.multi_reduction <minimumf>, %select_n3A_136, %reduce_min3A_137 [1] : vector<256x8192xf32> to vector<256xf32>
    %broadcast_in_dim3A_139 = vector.shape_cast %reduce_min3A_138 : vector<256xf32> to vector<256x1xf32>
    %eq3A_140 = vector.broadcast %broadcast_in_dim3A_139 : vector<256x1xf32> to vector<256x8192xf32>
    %eq3A_141 = arith.cmpf oeq, %select_n3A_136, %eq3A_140 : vector<256x8192xf32>
    %jit3A_142 = arith.constant 8192 : i32
    %broadcast_in_dim3A_143 = vector.broadcast %jit3A_142 : i32 to vector<256x8192xi32>
    %select_n3A_144 = arith.select %eq3A_141, %iota3A, %broadcast_in_dim3A_143 : vector<256x8192xi1>, vector<256x8192xi32>
    %reduce_min3A_145 = arith.constant dense<2147483647> : vector<256xi32>
    %reduce_min3A_146 = vector.multi_reduction <minsi>, %select_n3A_144, %reduce_min3A_145 [1] : vector<256x8192xi32> to vector<256xi32>
    %swap3A_147 = arith.constant 6 : index
    %swap3A_148 = arith.constant 0 : index
    %swap3A_149 = vector.load %arg3[%swap3A_147, %swap3A_148] : memref<8x256xi32, #tpu.memory_space<vmem>>, vector<1x256xi32>
    %swap3A_150 = vector.shape_cast %swap3A_149 : vector<1x256xi32> to vector<256xi32>
    %swap3A_151 = vector.shape_cast %reduce_min3A_146 : vector<256xi32> to vector<1x256xi32>
    tpu.vector_store %arg3[%swap3A_147, %swap3A_148], %swap3A_151 {strides = array<i32>} : memref<8x256xi32, #tpu.memory_space<vmem>>, vector<1x256xi32>,
    %broadcast_in_dim3A_152 = vector.shape_cast %reduce_min3A_146 : vector<256xi32> to vector<256x1xi32>
    %eq3A_153 = vector.broadcast %broadcast_in_dim3A_152 : vector<256x1xi32> to vector<256x8192xi32>
    %eq3A_154 = arith.cmpi eq, %iota3A, %eq3A_153 : vector<256x8192xi32>
    %jit3A_155 = arith.constant 0x7F800000 : f32
    %broadcast_in_dim3A_156 = vector.broadcast %jit3A_155 : f32 to vector<256x8192xf32>
    %select_n3A_157 = arith.select %eq3A_154, %broadcast_in_dim3A_156, %select_n3A_136 : vector<256x8192xi1>, vector<256x8192xf32>
    %reduce_min3A_158 = arith.constant dense<0x7F800000> : vector<256xf32>
    %reduce_min3A_159 = vector.multi_reduction <minimumf>, %select_n3A_157, %reduce_min3A_158 [1] : vector<256x8192xf32> to vector<256xf32>
    %broadcast_in_dim3A_160 = vector.shape_cast %reduce_min3A_159 : vector<256xf32> to vector<256x1xf32>
    %eq3A_161 = vector.broadcast %broadcast_in_dim3A_160 : vector<256x1xf32> to vector<256x8192xf32>
    %eq3A_162 = arith.cmpf oeq, %select_n3A_157, %eq3A_161 : vector<256x8192xf32>
    %jit3A_163 = arith.constant 8192 : i32
    %broadcast_in_dim3A_164 = vector.broadcast %jit3A_163 : i32 to vector<256x8192xi32>
    %select_n3A_165 = arith.select %eq3A_162, %iota3A, %broadcast_in_dim3A_164 : vector<256x8192xi1>, vector<256x8192xi32>
    %reduce_min3A_166 = arith.constant dense<2147483647> : vector<256xi32>
    %reduce_min3A_167 = vector.multi_reduction <minsi>, %select_n3A_165, %reduce_min3A_166 [1] : vector<256x8192xi32> to vector<256xi32>
    %swap3A_168 = arith.constant 7 : index
    %swap3A_169 = arith.constant 0 : index
    %swap3A_170 = vector.load %arg3[%swap3A_168, %swap3A_169] : memref<8x256xi32, #tpu.memory_space<vmem>>, vector<1x256xi32>
    %swap3A_171 = vector.shape_cast %swap3A_170 : vector<1x256xi32> to vector<256xi32>
    %swap3A_172 = vector.shape_cast %reduce_min3A_167 : vector<256xi32> to vector<1x256xi32>
    tpu.vector_store %arg3[%swap3A_168, %swap3A_169], %swap3A_172 {strides = array<i32>} : memref<8x256xi32, #tpu.memory_space<vmem>>, vector<1x256xi32>,
    return
  }
  func.func @transform_0(%arg0: i32) -> (i32, i32) {
    %c0_i32 = arith.constant 0 : i32
    %c0_i32_0 = arith.constant 0 : i32
    return %arg0, %c0_i32 : i32, i32
  }
  func.func @transform_1(%arg0: i32) -> (i32, i32) {
    %c0_i32 = arith.constant 0 : i32
    %c0_i32_0 = arith.constant 0 : i32
    %c0_i32_1 = arith.constant 0 : i32
    return %c0_i32, %c0_i32_0 : i32, i32
  }
  func.func @transform_2(%arg0: i32) -> (i32, i32) {
    %c0_i32 = arith.constant 0 : i32
    %c0_i32_0 = arith.constant 0 : i32
    return %c0_i32, %arg0 : i32, i32
  }
}

</mosaic_0001>

<sc_bundles>
// kernel: kernel.4.cloned.1.call-start
scs
__scs_entry_jumppad:
0x0: {  	(pc) =	sbr.rel $0x88, $3  }
0x1: {  	(tag) =	ssettag $0x0;
	lr =	simm.s32 $0x1  }
0x2: {  	[smem:$0x3F9F] =	sst lr;
	_ =	strace $0xD0000000  }
0x3: {  	_ = 	snop  }
0x4: {  	_ = 	snop  }
0x5: {  	_ = 	snop  }
0x6: {  	_ = 	snop  }
0x7: {  	_ = 	snop  }
__scs_overlays_trampoline_lowered:
0x8: {  	[smem:$0x3FAE] =	sst s0  }
0x9: {  	[smem:$0x3FAF] =	sst s1  }
0xa: {  	[smem:$0x3FB0] =	sst s2  }
0xb: {  	[smem:$0x3FB1] =	sst s3  }
0xc: {  	[smem:$0x3FB2] =	sst s4  }
0xd: {  	[smem:$0x3FB3] =	sst s5  }
0xe: {  	[smem:$0x3FB4] =	sst s6  }
0xf: {  	[smem:$0x3FB5] =	sst s7  }
0x10: {  	[smem:$0x3FB6] =	sst s8  }
0x11: {  	[smem:$0x3FB7] =	sst s9;
	s0 =	simm.s32 @!p0 $0x0  }
0x12: {  	s1 =	sld [smem:$0x3F9D];
	s0 =	simm.s32 @p0 $0x1  }
0x13: {  	[smem:$0x3FB8] =	sst s0;
	s0 =	simm.s32 @!p1 $0x0  }
0x14: {  	s2 =	sld [smem:$0x3F9C];
	s0 =	simm.s32 @p1 $0x1  }
0x15: {  	[smem:$0x3FB9] =	sst s0;
	s0 =	simm.s32 @!p2 $0x0  }
0x16: {  	s3 =	sld [smem:$0x3FDB];
	s0 =	simm.s32 @p2 $0x1  }
0x17: {  	s4 =	simm.s32 $0x1BF5;
	[smem:$0x3FBB] =	sst s0  }
0x18: {  	s0 =	sld [smem:$0x3F9E];
	_ =	swait.ge [sflag:s4], $0x0  }
0x19: {  	s7 =	sld [smem:$0x3F9F]  }
0x1a: {  	s8 =	sadd.s32 $0xFFFFE003, lr  }
0x1b: {  	s9 =	sadd.s32 $0xFFFFFEF7, lr;
	s5 =	simm.s32 $0xFFFFFFFF;
	p2 =	slt.u32 s8, $0xFFFFF086  }
0x1c: {  	p1 =	slt.u32 s9, $0xF7A;
	s5 =	simm.s32 @!p2 $0x0  }
0x1d: {  	s5 =	simm.s32 @p1 $0x1;
	p0 =	seq.s32 s7, s2  }
0x1e: {  	s7 =	smul.u32 @!p0 $0xF7A, s2;
	p2 =	seq.s32 @!p0 s5, $0x0  }
0x1f: {  	s9 =	smul.u32 $0xF7A, s1;
	s8 =	simm.s32 @!p0 $0x1BF5;
	p2 =	por !p2, p0  }
0x20: {  	[sflag:s8] =	ssyncset.s32 @!p0 $0xFFFFF086;
	s6 =	sadd.s32 @!p0 s3, s7;
	s7 =	simm.s32 @!p0 $0x108  }
0x21: {  	s3 =	sadd.s32 s3, s9;
	s6 =	sadd.s32 @!p0 $0x88, s6;
	s7 =	simm.s32 @p2 $0x1082  }
0x22: {  	[simem:s7], [sflag:s8] =	dma.local @!p0 [hbm:s6], $0xF7A  }
0x23: {  	s9 =	sor.u32 $0xD0000000, s2;
	s6 =	simm.s32 $0x108;
	_ =	swait.ge @!p0 [sflag:s8], $0x0  }
0x24: {  	s3 =	sadd.s32 $0x88, s3;
	s6 =	simm.s32 @!p1 $0x1082;
	[sflag:s4] =	ssyncset.s32 $0xFFFFF086  }
0x25: {  	[simem:s6], [sflag:s4] =	dma.local [hbm:s3], $0xF7A  }
0x26: {  	[smem:$0x3F9F] =	sst s1;
	(tag) =	ssettag s2;
	_ =	strace s9  }
0x27: {  	s1 =	sld [smem:$0x3FAF]  }
0x28: {  	s2 =	sld [smem:$0x3FB0]  }
0x29: {  	s4 =	sld [smem:$0x3FB2]  }
0x2a: {  	p0 =	seq.s32 s5, $0x0;
	s5 =	sld [smem:$0x3FB3]  }
0x2b: {  	s6 =	sld [smem:$0x3FB4]  }
0x2c: {  	s7 =	sld [smem:$0x3FB5]  }
0x2d: {  	s3 =	simm.s32 $0x108;
	s8 =	sld [smem:$0x3FB6]  }
0x2e: {  	s3 =	simm.s32 @!p0 $0x1082;
	s9 =	sld [smem:$0x3FB7]  }
0x2f: {  	lr =	sadd.s32 s0, s3;
	s0 =	sld [smem:$0x3FAE]  }
0x30: {  	s3 =	sld [smem:$0x3FB1]  }
0x31: {  	[smem:$0x3FBA] =	sst s10  }
0x32: {  	s10 =	sld [smem:$0x3FB8];
	_ =	sdelay $0x3  }
0x33: {  	p0 =	seq.s32 s10, $0x1;
	s10 =	sld [smem:$0x3FBA];
	_ =	sdelay $0x3  }
0x34: {  	[smem:$0x3FBA] =	sst s10  }
0x35: {  	s10 =	sld [smem:$0x3FB9];
	_ =	sdelay $0x3  }
0x36: {  	p1 =	seq.s32 s10, $0x1;
	s10 =	sld [smem:$0x3FBA];
	_ =	sdelay $0x3  }
0x37: {  	[smem:$0x3FBA] =	sst s10  }
0x38: {  	s10 =	sld [smem:$0x3FBB]  }
0x39: {  	_ = 	snop;
	(pc) =	sbr.ind lr, $3  }
0x3a: {  	_ = 	snop  }
0x3b: {  	_ = 	snop  }
0x3c: {  	p2 =	seq.s32 s10, $0x1;
	s10 =	sld [smem:$0x3FBA]  }
0x3d: {  	_ =	shalt  }
0x3e: {  	_ =	shalt  }
0x3f: {  	_ =	shalt  }
0x40: {  	_ =	shalt  }
0x41: {  	_ =	shalt  }
0x42: {  	_ =	shalt  }
0x43: {  	_ =	shalt  }
0x44: {  	_ =	shalt  }
0x45: {  	_ =	shalt  }
0x46: {  	_ =	shalt  }
0x47: {  	_ =	shalt  }
0x48: {  	_ =	shalt  }
0x49: {  	_ =	shalt  }
0x4a: {  	_ =	shalt  }
0x4b: {  	_ =	shalt  }
0x4c: {  	_ =	shalt  }
0x4d: {  	_ =	shalt  }
0x4e: {  	_ =	shalt  }
0x4f: {  	_ =	shalt  }
0x50: {  	_ =	shalt  }
0x51: {  	_ =	shalt  }
0x52: {  	_ =	shalt  }
0x53: {  	_ =	shalt  }
0x54: {  	_ =	shalt  }
0x55: {  	_ =	shalt  }
0x56: {  	_ =	shalt  }
0x57: {  	_ =	shalt  }
0x58: {  	_ =	shalt  }
0x59: {  	_ =	shalt  }
0x5a: {  	_ =	shalt  }
0x5b: {  	_ =	shalt  }
0x5c: {  	_ =	shalt  }
0x5d: {  	_ =	shalt  }
0x5e: {  	_ =	shalt  }
0x5f: {  	_ =	shalt  }
0x60: {  	_ =	shalt  }
0x61: {  	_ =	shalt  }
0x62: {  	_ =	shalt  }
0x63: {  	_ =	shalt  }
0x64: {  	_ =	shalt  }
0x65: {  	_ =	shalt  }
0x66: {  	_ =	shalt  }
0x67: {  	_ =	shalt  }
0x68: {  	_ =	shalt  }
0x69: {  	_ =	shalt  }
0x6a: {  	_ =	shalt  }
0x6b: {  	_ =	shalt  }
0x6c: {  	_ =	shalt  }
0x6d: {  	_ =	shalt  }
0x6e: {  	_ =	shalt  }
0x6f: {  	_ =	shalt  }
0x70: {  	_ =	shalt  }
0x71: {  	_ =	shalt  }
0x72: {  	_ =	shalt  }
0x73: {  	_ =	shalt  }
0x74: {  	_ =	shalt  }
0x75: {  	_ =	shalt  }
0x76: {  	_ =	shalt  }
0x77: {  	_ =	shalt  }
0x78: {  	_ =	shalt  }
0x79: {  	_ =	shalt  }
0x7a: {  	_ =	shalt  }
0x7b: {  	_ =	shalt  }
0x7c: {  	_ =	shalt  }
0x7d: {  	_ =	shalt  }
0x7e: {  	_ =	shalt  }
0x7f: {  	_ =	shalt  }
0x80: {  	_ =	shalt  }
0x81: {  	_ =	shalt  }
0x82: {  	_ =	shalt  }
0x83: {  	_ =	shalt  }
0x84: {  	_ =	shalt  }
0x85: {  	_ =	shalt  }
0x86: {  	_ =	shalt  }
0x87: {  	_ =	shalt  }
.Lfunc_end0:
.L_simem_size_0:
called_computation_lowered:
.L_overlay_start_0:
0x88: {  	s2 =	sld [smem:$0x3FD9]  }
0x89: {  	s3 =	sld [smem:$0x3FFE];
	_ =	sdelay $0x1  }
0x8a: {  	s1 =	srdreg.scid  }
0x8b: {  	s0 =	sand.u32 $0x1, s1  }
0x8c: {  	s14 =	sshll.u32 s0, $0xA;
	s2 =	sadd.s32 s3, s2  }
0x8d: {  	s2 =	sadd.s32 s2, s14  }
0x8e: {  	[smem:$0x3FC6] =	sst s2  }
0x8f: {  	_ = 	snop  }
0x90: {  	s2 =	sld [smem:$0x3FD0];
	_ =	sdelay $0x2  }
0x91: {  	s15 =	simm.s32 $0xA;
	s4 =	simm.s32 $0x10  }
0x92: {  	[smem:s4], [sflag:s15] =	dma.local [hbm:s2], $0x1  }
0x93: {  	_ =	swait.eq [sflag:s15], $0x1  }
0x94: {  	[sflag:s15] =	ssyncset.done $0x0  }
0x95: {  	[sflag:s15] =	ssyncadd.s32 $0xFFFFFFFF  }
0x96: {  	s16 =	sld [smem:$0x10];
	(tm) =	ssettm $0x1  }
0x97: {  	s17 =	sld [smem:$0x3FFB];
	_ =	sdelay $0x3  }
0x98: {  	_ =	strace s17  }
0x99: {  	s3 =	sld [smem:$0x3FFC];
	_ =	sdelay $0x3  }
0x9a: {  	_ =	strace s3  }
0x9b: {  	s3 =	sld [smem:$0x3FFD];
	_ =	sdelay $0x3  }
0x9c: {  	_ =	strace s3  }
0x9d: {  	_ =	strace $0x8FFFFFFF  }
0x9e: {  	s18 =	sld [smem:$0x3FDB];
	_ =	sdelay $0x1  }
0x9f: {  	s19 =	simm.s32 $_scs_section_size  }
0xa0: {  	s5 =	simm.s32 $_size__tile_overlayer_lowered;
	s6 =	simm.s32 $_tile_overlayer_lowered  }
0xa1: {  	s22 =	simm.s32 $0x1BFF;
	s21 =	sshll.u32 s6, $0x1;
	s3 =	sadd.s32 s19, s18  }
0xa2: {  	s7 =	simm.s32 $0x0;
	s20 =	sshll.u32 s5, $0x1;
	s5 =	sadd.s32 s21, s3  }
0xa3: {  	[timem:s7], [sflag:s22] =	dma.local [hbm:s5], s20  }
0xa4: {  	_ =	swait.ge [sflag:s22], s20  }
0xa5: {  	s4 =	ssub.s32 $0x0, s20;
	[sflag:s22] =	ssyncset.done $0x0  }
0xa6: {  	[sflag:s22] =	ssyncadd.s32 s4;
	_ =	sdelay $0x1  }
0xa7: {  	s23 =	simm.s32 $0x1B8B  }
0xa8: {  	_ =	swait.ge [sflag:s23], $0x1  }
0xa9: {  	[sflag:s23] =	ssyncset.done $0x0  }
0xaa: {  	s25 =	simm.s32 $0x1B8E;
	s24 =	sld [smem:$0x3FFE];
	[sflag:s23] =	ssyncadd.s32 $0xFFFFFFFF  }
0xab: {  	s26 =	simm.s32 $execute0_lowered;
	[smem:$0x3FD2] =	sst s25  }
0xac: {  	s5 =	sshll.u32 s26, $0x1;
	_ =	strace $0x80000046;
	[dreg:$0x1] =	wrdreg $0xFFFFFFFF  }
0xad: {  	s28 =	simm.s32 $_size_execute0_lowered;
	s3 =	sadd.s32 s3, s5;
	[dreg:$0x0] =	wrdreg $0x0  }
0xae: {  	s5 =	sshll.u32 s28, $0x1;
	[dreg:$0x2] =	wrdreg s3  }
0xaf: {  	[dreg:$0x3] =	wrdreg s5  }
0xb0: {  	[dreg:$0x4] =	wrdreg $0xC0  }
0xb1: {  	_ =	task [dreg:s7], $0x5FFFF  }
0xb2: {  	[dreg:$0x1] =	wrdreg $0xFFFFFFFF  }
0xb3: {  	[dreg:$0x0] =	wrdreg $0x60  }
0xb4: {  	[dreg:$0x2] =	wrdreg s24  }
0xb5: {  	[dreg:$0x3] =	wrdreg s16  }
0xb6: {  	[dreg:$0x4] =	wrdreg $0x9  }
0xb7: {  	_ =	task.clear_ibuf [dreg:s7], $0x5FFFF;
	_ =	strace $0x90000046  }
0xb8: {  	s29 =	simm.s32 $0x9;
	_ =	strace $0x80000048  }
0xb9: {  	_ =	swait.ge [sflag:s29], $0x1  }
0xba: {  	[sflag:s29] =	ssyncadd.s32 $0xFFFFFFFF  }
0xbb: {  	_ =	strace $0x90000048  }
0xbc: {  	_ =	sfence  }
0xbd: {  	s30 =	sld [smem:$0x0];
	_ =	sdelay $0x2  }
0xbe: {  	s31 =	sshll.u32 s1, $0xD;
	s1 =	sshrl.u32 s1, $0x2  }
0xbf: {  	s3 =	sand.u32 $0x4000, s31;
	s1 =	sadd.s32 s1, s30  }
0xc0: {  	s0 =	sor.u32 s3, s0;
	s1 =	sshll.u32 s1, $0x11  }
0xc1: {  	s0 =	sor.u32 s1, s0  }
0xc2: {  	s0 =	sadd.s32 $0x8F2B, s0  }
0xc3: {  	[sflag:s0] =	ssyncadd.remote.s32 $0x1  }
0xc4: {  	_ =	sfence.sel $0xFFFF  }
0xc5: {  	[dreg:$0x0] =	wrdreg $0xFFFFFFFF;
	(pc) =	sbr.abs _section_cstart, $3  }
0xc6: {  	[dreg:$0x1] =	wrdreg $0xFFFFFFFF  }
0xc7: {  	_ =	task.clear_ibuf [dreg:s7], $0x2FFFF;
	_ =	strace $0x9FFFFFFF  }
0xc8: {  	(tm) =	ssettm $0x7FFFFFFF  }
0xc9: {  	_ =	shalt  }
tec
execute0_lowered:
.L_overlay_start_1:
0x0: {  	(tag) =	ssettag $0x1  }
0x1: {  	s1 =	srdreg.scid  }
0x2: {  	s3 =	rddreg [dreg:$0x0];
	s0 =	stileid.u32  }
0x3: {  	s5 =	rddreg [dreg:$0x1];
	s2 =	simm.s32 $0x0;
	s9 =	simm.s32 $0x2  }
0x4: {  	s10 =	simm.s32 $0x400;
	s11 =	simm.s32 $0x2400;
	s12 =	simm.s32 $0x100  }
0x5: {  	s13 =	simm.s32 $0x4400;
	s14 =	simm.s32 $0x180;
	s15 =	simm.s32 $0x6400  }
0x6: {  	s16 =	simm.s32 $0x200;
	s17 =	simm.s32 $0x8400;
	s18 =	simm.s32 $0x280  }
0x7: {  	s19 =	simm.s32 $0xA400;
	s20 =	simm.s32 $0x300;
	s21 =	simm.s32 $0xC400  }
0x8: {  	s22 =	simm.s32 $0x380;
	s23 =	simm.s32 $0xE400;
	s24 =	simm.s32 $0x1  }
0x9: {  	s25 =	simm.s32 $0x10400;
	s26 =	simm.s32 $0x0;
	s4 =	sand.u32 $0x1, s1  }
0xa: {  	s6 =	sshll.u32 s0, $0x8;
	s1 =	rddreg [dreg:$0x2];
	s7 =	sshll.u32 s4, $0x7  }
0xb: {  	[smem:$0x7FF] =	sst s2;
	s4 =	ssub.s32 $0x2, s4;
	s6 =	sor.u32 s7, s6  }
0xc: {  	_ =	strace $0x80000047;
	s8 =	sshrl.u32 s4, $0x1;
	s7 =	sshrl.u32 s6, $0x3  }
0xd: {  	s6 =	sshll.u32 s6, $0x3;
	s8 =	ssub.s32 s4, s8;
	s7 =	sadd.s32 s7, s3  }
0xe: {  	s3 =	sadd.s32 $0x600, s3;
	s5 =	sadd.s32 s5, s6;
	s6 =	smax.u32 s8, $0x1  }
0xf: {  	s8 =	simm.s32 $0x1000;
	s4 =	sadd.s32 $0x10600, s7;
	s7 =	simm.s32 $0x80  }
.LBB2_1:
0x10: {  	[tilespmem:s2], [sflag:$0x2] =	stream.strided.gather [hbm4b:s4+s7], $0x400, s8, s7, $0x38;
	[tilespmem:$0x12400] =	vst v63  }
0x11: {  	_ =	swait.ge [sflag:s9], $0x400  }
0x12: {  	[sflag:s9] =	ssyncset.done $0x0  }
0x13: {  	[sflag:s9] =	ssyncadd.s32 $0xFFFFFC00  }
0x14: {  	[tilespmem:s10], [sflag:$0x1] =	stream.indirect.gather [hbm4b:s3+s7], $0x40, s2, s7, $0xb8;
	[tilespmem:$0x12400] =	vst v63  }
0x15: {  	_ = 	snop  }
0x16: {  	[tilespmem:s11], [sflag:$0x1] =	stream.indirect.gather [hbm4b:s3+s7], $0x40, s7, s7, $0xb8;
	[tilespmem:$0x12400] =	vst v63  }
0x17: {  	_ = 	snop  }
0x18: {  	[tilespmem:s13], [sflag:$0x1] =	stream.indirect.gather [hbm4b:s3+s7], $0x40, s12, s7, $0xb8;
	[tilespmem:$0x12400] =	vst v63  }
0x19: {  	_ = 	snop  }
0x1a: {  	[tilespmem:s15], [sflag:$0x1] =	stream.indirect.gather [hbm4b:s3+s7], $0x40, s14, s7, $0xb8;
	[tilespmem:$0x12400] =	vst v63  }
0x1b: {  	_ = 	snop  }
0x1c: {  	[tilespmem:s17], [sflag:$0x1] =	stream.indirect.gather [hbm4b:s3+s7], $0x40, s16, s7, $0xb8;
	[tilespmem:$0x12400] =	vst v63  }
0x1d: {  	_ = 	snop  }
0x1e: {  	[tilespmem:s19], [sflag:$0x1] =	stream.indirect.gather [hbm4b:s3+s7], $0x40, s18, s7, $0xb8;
	[tilespmem:$0x12400] =	vst v63  }
0x1f: {  	_ = 	snop  }
0x20: {  	[tilespmem:s21], [sflag:$0x1] =	stream.indirect.gather [hbm4b:s3+s7], $0x40, s20, s7, $0xb8;
	[tilespmem:$0x12400] =	vst v63  }
0x21: {  	_ = 	snop  }
0x22: {  	[tilespmem:s23], [sflag:$0x1] =	stream.indirect.gather [hbm4b:s3+s7], $0x40, s22, s7, $0xb8;
	[tilespmem:$0x12400] =	vst v63  }
0x23: {  	_ =	swait.ge [sflag:s24], $0x2000  }
0x24: {  	[sflag:s24] =	ssyncset.done $0x0  }
0x25: {  	[sflag:s24] =	ssyncadd.s32 $0xFFFFE000  }
0x26: {  	_ =	swait.ge [sflag:s24], $0x2000  }
0x27: {  	[sflag:s24] =	ssyncset.done $0x0  }
0x28: {  	[sflag:s24] =	ssyncadd.s32 $0xFFFFE000  }
0x29: {  	_ =	swait.ge [sflag:s24], $0x2000  }
0x2a: {  	[sflag:s24] =	ssyncset.done $0x0  }
0x2b: {  	[sflag:s24] =	ssyncadd.s32 $0xFFFFE000  }
0x2c: {  	_ =	swait.ge [sflag:s24], $0x2000  }
0x2d: {  	[sflag:s24] =	ssyncset.done $0x0  }
0x2e: {  	[sflag:s24] =	ssyncadd.s32 $0xFFFFE000  }
0x2f: {  	_ =	swait.ge [sflag:s24], $0x2000  }
0x30: {  	[sflag:s24] =	ssyncset.done $0x0  }
0x31: {  	[sflag:s24] =	ssyncadd.s32 $0xFFFFE000  }
0x32: {  	_ =	swait.ge [sflag:s24], $0x2000  }
0x33: {  	[sflag:s24] =	ssyncset.done $0x0  }
0x34: {  	[sflag:s24] =	ssyncadd.s32 $0xFFFFE000  }
0x35: {  	_ =	swait.ge [sflag:s24], $0x2000  }
0x36: {  	[sflag:s24] =	ssyncset.done $0x0  }
0x37: {  	[sflag:s24] =	ssyncadd.s32 $0xFFFFE000  }
0x38: {  	_ =	swait.ge [sflag:s24], $0x2000  }
0x39: {  	[sflag:s24] =	ssyncset.done $0x0  }
0x3a: {  	s28 =	simm.s32 $0x0;
	[sflag:s24] =	ssyncadd.s32 $0xFFFFE000  }
0x3b: {  	v0 =	vld [tilespmem:s28+$0x430]  }
0x3c: {  	v1 =	vld [tilespmem:s28+$0x2430]  }
0x3d: {  	v2 =	vld [tilespmem:s28+$0x400]  }
0x3e: {  	v3 =	vld [tilespmem:s28+$0x4430]  }
0x3f: {  	v4 =	vld [tilespmem:s28+$0x2400]  }
0x40: {  	v5 =	vld [tilespmem:s28+$0x6430]  }
0x41: {  	v6 =	vld [tilespmem:s28+$0x410]  }
0x42: {  	v8 =	vld [tilespmem:s28+$0x8430];
	v7 =	vadd.f32 v1, v0  }
0x43: {  	v9 =	vld [tilespmem:s28+$0x2410]  }
0x44: {  	v10 =	vld [tilespmem:s28+$0xA430];
	v7 =	vadd.f32 v3, v7  }
0x45: {  	v11 =	vld [tilespmem:s28+$0x420]  }
0x46: {  	v17 =	vld [tilespmem:s28+$0x4400];
	v12 =	vmul.f32 v2, v2;
	v13 =	vmul.f32 v4, v4;
	v7 =	vadd.f32 v5, v7  }
0x47: {  	v14 =	vld [tilespmem:s28+$0xC430];
	v0 =	vmul.f32 v0, v0;
	v1 =	vmul.f32 v1, v1  }
0x48: {  	v16 =	vld [tilespmem:s28+$0xE430];
	v2 =	vadd.f32 v4, v2;
	v15 =	vmul.f32 v9, v9;
	v7 =	vadd.f32 v8, v7  }
0x49: {  	v18 =	vld [tilespmem:s28+$0x6400];
	v12 =	vadd.f32 v13, v12;
	v0 =	vadd.f32 v1, v0;
	v1 =	vmul.f32 v3, v3  }
0x4a: {  	v19 =	vld [tilespmem:s28+$0x6410];
	v13 =	vmul.f32 v6, v6;
	v6 =	vadd.f32 v9, v6;
	v7 =	vadd.f32 v10, v7  }
0x4b: {  	v4 =	vld [tilespmem:s28+$0x2420];
	v2 =	vadd.f32 v17, v2;
	v0 =	vadd.f32 v1, v0;
	v1 =	vmul.f32 v5, v5  }
0x4c: {  	v20 =	vld [tilespmem:s28+$0x8400];
	v9 =	vadd.f32 v15, v13;
	v3 =	vadd.f32 v14, v7  }
0x4d: {  	v13 =	vld [tilespmem:s28+$0x4410];
	v5 =	vmul.f32 v17, v17;
	v0 =	vadd.f32 v1, v0;
	v1 =	vmul.f32 v8, v8  }
0x4e: {  	v21 =	vld [tilespmem:s28+$0x8410];
	v2 =	vadd.f32 v18, v2;
	v3 =	vadd.f32 v16, v3  }
0x4f: {  	v15 =	vld [tilespmem:s28+$0x4420];
	v5 =	vadd.f32 v5, v12;
	v0 =	vadd.f32 v1, v0;
	v1 =	vmul.f32 v10, v10  }
0x50: {  	v12 =	vld [tilespmem:s28+$0xA400];
	v7 =	vmul.f32 v11, v11;
	v11 =	vadd.f32 v4, v11;
	(erf) = vrcp.f32 v3  }
0x51: {  	v17 =	vld [tilespmem:s28+$0x6420];
	v4 =	vmul.f32 v4, v4;
	v0 =	vadd.f32 v1, v0;
	v1 =	vmul.f32 v14, v14  }
0x52: {  	v14 =	vadd.f32 v20, v2;
	v3 =	vadd.f32 v13, v6  }
0x53: {  	v22 =	vld [tilespmem:s28+$0x8420];
	v7 =	vadd.f32 v4, v7;
	v4 =	vmul.f32 v13, v13;
	v0 =	vadd.f32 v1, v0  }
0x54: {  	v10 =	vmul.f32 v15, v15;
	v2 =	vld [tilespmem:s28+$0xA420];
	v6 =	vadd.f32 v15, v11;
	v8 =	vadd.f32 v19, v3  }
0x55: {  	v14 =	vadd.f32 v12, v14;
	v1 =	vld [tilespmem:s28+$0xC420];
	v13 =	vmul.f32 v18, v18;
	v9 =	vadd.f32 v4, v9  }
0x56: {  	v3 =	vld [tilespmem:s28+$0xA410];
	v11 =	vadd.f32 v17, v6;
	v15 =	vadd.f32 v21, v8;
	v8 =	vmul.f32 v16, v16  }
0x57: {  	v10 =	vadd.f32 v10, v7;
	v6 =	vld [tilespmem:s28+$0xC400];
	v18 =	vadd.f32 v13, v5;
	v16 =	vmul.f32 v19, v19  }
0x58: {  	v4 =	vld [tilespmem:s28+$0xC410];
	v17 =	vmul.f32 v17, v17;
	v11 =	vadd.f32 v22, v11;
	v0 =	vadd.f32 v8, v0  }
0x59: {  	v19 =	vmul.f32 v20, v20;
	v21 =	vmul.f32 v21, v21;
	v8 =	vld [tilespmem:s28+$0xE400];
	v63 =	vadd.f32 v16, v9;
	v5 =	vpop (erf)  }
0x5a: {  	v7 =	vld [tilespmem:s28+$0xE410];
	v23 =	vadd.f32 v2, v11;
	v9 =	vadd.f32 v17, v10;
	v0 =	vmul.f32 v5, v0  }
0x5b: {  	v11 =	vadd.f32 v19, v18;
	v10 =	vmul.f32 v22, v22;
	v15 =	vadd.f32 v3, v15;
	v5 =	vld [tilespmem:s28+$0xE420]  }
0x5c: {  	s29 =	simm.s32 $0x40;
	v16 =	vmul.f32 v12, v12;
	v13 =	vadd.f32 v6, v14;
	v12 =	vadd.f32 v21, v63;
	[tilespmem:s28+$0x10430] =	vst v0  }
0x5d: {  	s30 =	simm.s32 $0x200;
	v14 =	vadd.f32 v4, v15;
	v15 =	vadd.f32 v1, v23;
	v0 =	vld [tilespmem:s29+$0x430]  }
.LBB2_2:
0x5e: {  	p0 =	sne.s32 s30, $0x7F00;
	v17 =	vld [tilespmem:s29+$0x2430];
	v13 =	vadd.f32 v8, v13;
	v3 =	vmul.f32 v3, v3;
	v9 =	vadd.f32 v10, v9  }
0x5f: {  	v2 =	vmul.f32 v2, v2;
	v10 =	vld [tilespmem:s29+$0x400];
	v11 =	vadd.f32 v16, v11;
	v14 =	vadd.f32 v7, v14  }
0x60: {  	v16 =	vld [tilespmem:s29+$0x4430];
	v3 =	vadd.f32 v3, v12;
	v12 =	vadd.f32 v5, v15;
	(erf) = vrcp.f32 v13  }
0x61: {  	v6 =	vmul.f32 v6, v6;
	v2 =	vadd.f32 v2, v9;
	v13 =	vld [tilespmem:s29+$0x2400];
	(erf) = vrcp.f32 v14  }
0x62: {  	v4 =	vmul.f32 v4, v4;
	v9 =	vld [tilespmem:s29+$0x6430];
	(erf) = vrcp.f32 v12  }
0x63: {  	v1 =	vmul.f32 v1, v1;
	v6 =	vadd.f32 v6, v11;
	v12 =	vld [tilespmem:s29+$0x410];
	v14 =	vadd.f32 v17, v0  }
0x64: {  	v8 =	vmul.f32 v8, v8;
	v3 =	vadd.f32 v4, v3;
	v11 =	vmul.f32 v10, v10;
	v15 =	vld [tilespmem:s29+$0x8430]  }
0x65: {  	v7 =	vmul.f32 v7, v7;
	v1 =	vadd.f32 v1, v2;
	v4 =	vld [tilespmem:s29+$0x2410];
	v14 =	vadd.f32 v16, v14  }
0x66: {  	v19 =	vmul.f32 v5, v5;
	v2 =	vadd.f32 v13, v10;
	v10 =	vmul.f32 v13, v13;
	v13 =	vld [tilespmem:s29+$0xA430]  }
0x67: {  	v20 =	vadd.f32 v8, v6;
	v18 =	vld [tilespmem:s29+$0x420];
	v14 =	vadd.f32 v9, v14  }
0x68: {  	v3 =	vadd.f32 v7, v3;
	v8 =	vadd.f32 v10, v11;
	v10 =	vmul.f32 v12, v12;
	v11 =	vld [tilespmem:s29+$0xC430]  }
0x69: {  	v1 =	vadd.f32 v19, v1;
	v7 =	vld [tilespmem:s29+$0x2420];
	v14 =	vadd.f32 v15, v14;
	v5 =	vpop (erf)  }
0x6a: {  	v12 =	vadd.f32 v4, v12;
	v4 =	vmul.f32 v4, v4;
	v19 =	vld [tilespmem:s29+$0xE430];
	v5 =	vmul.f32 v5, v20;
	v6 =	vpop (erf)  }
0x6b: {  	v0 =	vmul.f32 v0, v0;
	v17 =	vmul.f32 v17, v17;
	v20 =	vld [tilespmem:s29+$0x4400];
	v14 =	vadd.f32 v13, v14;
	v21 =	vpop (erf)  }
0x6c: {  	v3 =	vmul.f32 v6, v3;
	v4 =	vadd.f32 v4, v10;
	v10 =	vld [tilespmem:s29+$0x4410];
	v22 =	vmul.f32 v18, v18;
	[tilespmem:s28+$0x10400] =	vst v5  }
0x6d: {  	v0 =	vadd.f32 v17, v0;
	v6 =	vmul.f32 v16, v16;
	v5 =	vld [tilespmem:s29+$0x4420];
	v14 =	vadd.f32 v11, v14  }
0x6e: {  	v1 =	vmul.f32 v21, v1;
	v16 =	vld [tilespmem:s29+$0x6400];
	v17 =	vadd.f32 v7, v18;
	v7 =	vmul.f32 v7, v7;
	[tilespmem:s28+$0x10410] =	vst v3  }
0x6f: {  	v0 =	vadd.f32 v6, v0;
	v3 =	vmul.f32 v9, v9;
	v18 =	vld [tilespmem:s29+$0x6410];
	v6 =	vadd.f32 v19, v14  }
0x70: {  	v2 =	vadd.f32 v20, v2;
	v9 =	vmul.f32 v20, v20;
	v7 =	vadd.f32 v7, v22;
	v14 =	vld [tilespmem:s29+$0x6420];
	[tilespmem:s28+$0x10420] =	vst v1;
	s28 =	smov.u32 s29  }
0x71: {  	v0 =	vadd.f32 v3, v0;
	v1 =	vmul.f32 v15, v15;
	v20 =	vld [tilespmem:s28+$0x8400];
	(erf) = vrcp.f32 v6  }
0x72: {  	v3 =	vadd.f32 v10, v12;
	v6 =	vmul.f32 v10, v10;
	v10 =	vld [tilespmem:s28+$0x8410];
	v12 =	vadd.f32 v5, v17  }
0x73: {  	v0 =	vadd.f32 v1, v0;
	v1 =	vmul.f32 v13, v13;
	v2 =	vadd.f32 v16, v2;
	v15 =	vld [tilespmem:s28+$0x8420]  }
0x74: {  	v8 =	vadd.f32 v9, v8;
	v5 =	vmul.f32 v5, v5;
	v17 =	vld [tilespmem:s28+$0xA400];
	v9 =	vadd.f32 v18, v3  }
0x75: {  	v0 =	vadd.f32 v1, v0;
	v1 =	vmul.f32 v11, v11;
	v3 =	vld [tilespmem:s28+$0xA410];
	v12 =	vadd.f32 v14, v12  }
0x76: {  	v11 =	vmul.f32 v16, v16;
	v16 =	vadd.f32 v6, v4;
	v13 =	vadd.f32 v20, v2;
	v2 =	vld [tilespmem:s28+$0xA420]  }
0x77: {  	v19 =	vmul.f32 v19, v19;
	v0 =	vadd.f32 v1, v0;
	v6 =	vld [tilespmem:s28+$0xC400];
	v21 =	vadd.f32 v10, v9  }
0x78: {  	v18 =	vmul.f32 v18, v18;
	v5 =	vadd.f32 v5, v7;
	v4 =	vld [tilespmem:s28+$0xC410];
	v12 =	vadd.f32 v15, v12  }
0x79: {  	v14 =	vmul.f32 v14, v14;
	v0 =	vadd.f32 v19, v0;
	v13 =	vadd.f32 v17, v13;
	v1 =	vld [tilespmem:s28+$0xC420]  }
.Ltmp0:
0x7a: {  	v11 =	vadd.f32 v11, v8;
	v19 =	vmul.f32 v20, v20;
	v8 =	vld [tilespmem:s28+$0xE400];
	v20 =	vadd.f32 v3, v21;
	v9 =	vpop (erf);
	(pc) =	sbr.rel @p0 .LBB2_2-.Ltmp0, $4  }
0x7b: {  	v18 =	vadd.f32 v18, v16;
	v7 =	vld [tilespmem:s28+$0xE410];
	v21 =	vadd.f32 v2, v12;
	v0 =	vmul.f32 v9, v0  }
0x7c: {  	v12 =	vmul.f32 v10, v10;
	v9 =	vadd.f32 v14, v5;
	v13 =	vadd.f32 v6, v13;
	v5 =	vld [tilespmem:s28+$0xE420]  }
0x7d: {  	s29 =	sshra.s32 s30, $0x2;
	v11 =	vadd.f32 v19, v11;
	v10 =	vmul.f32 v15, v15;
	v14 =	vadd.f32 v4, v20;
	[tilespmem:s28+$0x10430] =	vst v0  }
0x7e: {  	s30 =	sadd.s32 $0x100, s30;
	v16 =	vmul.f32 v17, v17;
	v12 =	vadd.f32 v12, v18;
	v0 =	vld [tilespmem:s29+$0x430];
	v15 =	vadd.f32 v1, v21  }
0x7f: {  	v17 =	vld [tilespmem:s29+$0x2430];
	v13 =	vadd.f32 v8, v13  }
0x80: {  	v18 =	vld [tilespmem:s29+$0x400]  }
0x81: {  	v19 =	vld [tilespmem:s29+$0x4430];
	v14 =	vadd.f32 v7, v14;
	(erf) = vrcp.f32 v13  }
0x82: {  	v40 =	vld [tilespmem:s29+$0x2400]  }
0x83: {  	v20 =	vld [tilespmem:s29+$0x6430];
	v15 =	vadd.f32 v5, v15;
	(erf) = vrcp.f32 v14  }
0x84: {  	v21 =	vld [tilespmem:s29+$0x410];
	v6 =	vmul.f32 v6, v6;
	v3 =	vmul.f32 v3, v3;
	v9 =	vadd.f32 v10, v9  }
0x85: {  	v41 =	vld [tilespmem:s29+$0x8430];
	v2 =	vmul.f32 v2, v2;
	v11 =	vadd.f32 v16, v11;
	(erf) = vrcp.f32 v15  }
0x86: {  	v42 =	vld [tilespmem:s29+$0x2410];
	v43 =	vmul.f32 v8, v8;
	v4 =	vmul.f32 v4, v4;
	v3 =	vadd.f32 v3, v12  }
0x87: {  	v22 =	vld [tilespmem:s29+$0xA430];
	v1 =	vmul.f32 v1, v1;
	v2 =	vadd.f32 v2, v9;
	v6 =	vadd.f32 v6, v11  }
0x88: {  	v44 =	vld [tilespmem:s29+$0x420];
	v48 =	vmul.f32 v7, v7;
	v3 =	vadd.f32 v4, v3  }
0x89: {  	v45 =	vld [tilespmem:s29+$0xC430];
	v54 =	vmul.f32 v5, v5;
	v1 =	vadd.f32 v1, v2;
	v6 =	vadd.f32 v43, v6  }
0x8a: {  	v46 =	vld [tilespmem:s29+$0x2420];
	v60 =	vmul.f32 v0, v0;
	v47 =	vadd.f32 v17, v0;
	v53 =	vmul.f32 v18, v18;
	v49 =	vpop (erf)  }
0x8b: {  	v50 =	vld [tilespmem:s29+$0x4400];
	v13 =	vmul.f32 v40, v40;
	v3 =	vadd.f32 v48, v3;
	v6 =	vmul.f32 v49, v6  }
0x8c: {  	v52 =	vld [tilespmem:s29+$0x4410];
	v56 =	vadd.f32 v40, v18;
	v58 =	vmul.f32 v21, v21;
	v23 =	vmul.f32 v42, v42;
	v55 =	vpop (erf)  }
0x8d: {  	v15 =	vld [tilespmem:s29+$0xE430];
	v62 =	vmul.f32 v17, v17;
	v1 =	vadd.f32 v54, v1;
	v3 =	vmul.f32 v55, v3;
	[tilespmem:s28+$0x10400] =	vst v6  }
0x8e: {  	v16 =	vadd.f32 v42, v21;
	v25 =	vmul.f32 v19, v19;
	v51 =	vadd.f32 v19, v47;
	v61 =	vpop (erf);
	v57 =	vld [tilespmem:s29+$0x4420]  }
0x8f: {  	v26 =	vmul.f32 v44, v44;
	v0 =	vadd.f32 v62, v60;
	v1 =	vmul.f32 v61, v1;
	v59 =	vld [tilespmem:s29+$0x6400];
	[tilespmem:s28+$0x10410] =	vst v3  }
0x90: {  	v11 =	vadd.f32 v46, v44;
	v28 =	vmul.f32 v20, v20;
	v9 =	vadd.f32 v20, v51;
	v63 =	vld [tilespmem:s29+$0x6410]  }
0x91: {  	v31 =	vmul.f32 v41, v41;
	v10 =	vadd.f32 v13, v53;
	v0 =	vadd.f32 v25, v0;
	v24 =	vld [tilespmem:s29+$0x6420];
	[tilespmem:s28+$0x10420] =	vst v1  }
0x92: {  	v7 =	vmul.f32 v50, v50;
	v18 =	vadd.f32 v23, v58;
	v9 =	vadd.f32 v41, v9;
	v27 =	vld [tilespmem:s29+$0x8400]  }
0x93: {  	v4 =	vmul.f32 v52, v52;
	v33 =	vadd.f32 v52, v16;
	v0 =	vadd.f32 v28, v0;
	v29 =	vld [tilespmem:s29+$0x8410]  }
0x94: {  	v8 =	vmul.f32 v46, v46;
	v7 =	vadd.f32 v7, v10;
	v9 =	vadd.f32 v22, v9;
	v30 =	vld [tilespmem:s29+$0x8420]  }
0x95: {  	v35 =	vmul.f32 v22, v22;
	v4 =	vadd.f32 v4, v18;
	v0 =	vadd.f32 v31, v0;
	v32 =	vld [tilespmem:s29+$0xA400]  }
0x96: {  	v6 =	vadd.f32 v50, v56;
	v9 =	vadd.f32 v45, v9;
	v34 =	vld [tilespmem:s29+$0xA410]  }
0x97: {  	v0 =	vadd.f32 v35, v0;
	v1 =	vadd.f32 v8, v26;
	v36 =	vld [tilespmem:s29+$0xA420]  }
0x98: {  	v38 =	vld [tilespmem:s29+$0xC400];
	v11 =	vadd.f32 v57, v11;
	v6 =	vadd.f32 v59, v6  }
0x99: {  	v39 =	vmul.f32 v45, v45;
	v9 =	vadd.f32 v15, v9;
	v40 =	vld [tilespmem:s29+$0xC410];
	v37 =	vadd.f32 v63, v33  }
0x9a: {  	v41 =	vld [tilespmem:s29+$0xC420];
	v11 =	vadd.f32 v24, v11;
	v6 =	vadd.f32 v27, v6  }
0x9b: {  	v0 =	vadd.f32 v39, v0;
	v42 =	vld [tilespmem:s29+$0xE400];
	v5 =	vmul.f32 v57, v57;
	v10 =	vadd.f32 v29, v37  }
0x9c: {  	v53 =	vmul.f32 v15, v15;
	v44 =	vld [tilespmem:s29+$0xE410];
	v43 =	vadd.f32 v30, v11;
	v6 =	vadd.f32 v32, v6  }
0x9d: {  	v46 =	vld [tilespmem:s29+$0xE420];
	v2 =	vmul.f32 v59, v59;
	v1 =	vadd.f32 v5, v1;
	v45 =	vadd.f32 v34, v10  }
0x9e: {  	(erf) = vrcp.f32 v9;
	v9 =	vadd.f32 v36, v43;
	v6 =	vadd.f32 v38, v6  }
0x9f: {  	v3 =	vmul.f32 v63, v63;
	v2 =	vadd.f32 v2, v7;
	v5 =	vadd.f32 v40, v45  }
0xa0: {  	v17 =	vmul.f32 v24, v24;
	v9 =	vadd.f32 v41, v9;
	v6 =	vadd.f32 v42, v6  }
0xa1: {  	v47 =	vmul.f32 v27, v27;
	v48 =	vmul.f32 v29, v29;
	v5 =	vadd.f32 v44, v5  }
0xa2: {  	v49 =	vmul.f32 v30, v30;
	v9 =	vadd.f32 v46, v9;
	(erf) = vrcp.f32 v6  }
0xa3: {  	v50 =	vmul.f32 v32, v32;
	v3 =	vadd.f32 v3, v4;
	(erf) = vrcp.f32 v5  }
0xa4: {  	v1 =	vadd.f32 v17, v1;
	v2 =	vadd.f32 v47, v2;
	(erf) = vrcp.f32 v9  }
0xa5: {  	v51 =	vmul.f32 v34, v34;
	v52 =	vmul.f32 v36, v36;
	v3 =	vadd.f32 v48, v3  }
0xa6: {  	v54 =	vmul.f32 v38, v38;
	v1 =	vadd.f32 v49, v1;
	v2 =	vadd.f32 v50, v2  }
0xa7: {  	v55 =	vmul.f32 v40, v40;
	v56 =	vmul.f32 v41, v41;
	v3 =	vadd.f32 v51, v3  }
0xa8: {  	v57 =	vmul.f32 v42, v42;
	v1 =	vadd.f32 v52, v1;
	v2 =	vadd.f32 v54, v2  }
0xa9: {  	v0 =	vadd.f32 v53, v0;
	v58 =	vmul.f32 v44, v44;
	v3 =	vadd.f32 v55, v3  }
0xaa: {  	v60 =	vmul.f32 v46, v46;
	v59 =	vpop (erf);
	v1 =	vadd.f32 v56, v1;
	v2 =	vadd.f32 v57, v2  }
0xab: {  	v0 =	vmul.f32 v59, v0;
	v3 =	vadd.f32 v58, v3;
	v61 =	vpop (erf)  }
0xac: {  	v1 =	vadd.f32 v60, v1;
	v2 =	vmul.f32 v61, v2;
	v62 =	vpop (erf)  }
0xad: {  	[tilespmem:s29+$0x10430] =	vst v0;
	v63 =	vpop (erf);
	v3 =	vmul.f32 v62, v3  }
0xae: {  	s26 =	sadd.s32 $0x1, s26;
	[tilespmem:s29+$0x10400] =	vst v2;
	v0 =	vmul.f32 v63, v1  }
0xaf: {  	p0 =	sne.s32 s26, s6;
	[tilespmem:s29+$0x10410] =	vst v3  }
.Ltmp1:
0xb0: {  	[tilespmem:s29+$0x10420] =	vst v0;
	(pc) =	sbr.rel @p0 .LBB2_1-.Ltmp1, $4  }
0xb1: {  	[hbm4b:s5+s2] =	stream.linear.scatter [tilespmem:s25], [sflag:$0x2], $0x2000, $0x38;
	[tilespmem:$0x12400] =	vst v63  }
0xb2: {  	_ =	swait.ge [sflag:s9], $0x2000  }
0xb3: {  	[sflag:s9] =	ssyncset.done $0x0  }
0xb4: {  	[sflag:s9] =	ssyncadd.s32 $0xFFFFE000  }
0xb5: {  	_ =	sfence.sel $0x180000  }
0xb6: {  	[bflag:$0x0] =	sbarrier.arrive $0xFFFF  }
0xb7: {  	p0 =	sne.s32 s0, $0x0;
	_ =	strace $0x90000047  }
0xb8: {  	s0 =	sadd.s32 @!p0 $0x100000, s1;
	[bflag:$0x2] =	sbarrier.arrive $0xFFFF  }
0xb9: {  	[sflag:s0] =	ssyncadd.tile.s32 @!p0 $0x1;
	_ =	shalt  }
.Lfunc_end2:
_tile_overlayer_lowered:
.L_overlay_start_2:
0xba: {  	(tag) =	ssettag $0x2  }
0xbb: {  	s0 =	rddreg [dreg:$0x0];
	s2 =	stileid.u32  }
0xbc: {  	s1 =	rddreg [dreg:$0x1];
	p0 =	sne.s32 s2, $0x0  }
0xbd: {  	s3 =	rddreg [dreg:$0x2];
	[bflag:$0x3] =	sbarrier.arrive $0xFFFF;
	s2 =	simm.s32 @!p0 $0x1C02  }
0xbe: {  	[timem:s3], [sflag:s2] =	dma.local @!p0 [hbm:s0], s1  }
0xbf: {  	s0 =	simm.s32 @!p0 $0x2  }
0xc0: {  	_ =	swait.ge @!p0 [sflag:s0], s1  }
0xc1: {  	s1 =	ssub.s32 @!p0 $0x0, s1;
	[sflag:s0] =	ssyncset.done @!p0 $0x0  }
0xc2: {  	[sflag:s0] =	ssyncadd.s32 @!p0 s1  }
0xc3: {  	[bflag:$0x3] =	sbarrier.arrive $0xFFFF  }
0xc4: {  	_ =	shalt  }

</sc_bundles>
